<compile_context>
chip_gen: v7x
topology: tpu7x:2x2x1
jax: 0.10.2.dev20260603
libtpu: 0.0.44.dev20260713+nightly
codegen_flags: <defaults>
</compile_context>

<pallas_src>
import jax
import jax.numpy as jnp
from jax import lax
from jax.experimental import pallas as pl
from jax.experimental.pallas import tpu as pltpu
from jax.experimental.pallas import tpu_sc as plsc

VOCAB = 1000000
EMBED_DIM = 64
BATCH = 16384
HIST = 50

_NC = 2
_NS = 16
_NW = _NC * _NS

_B_W = BATCH // _NW
_GRP = 256
_SPLIT = _B_W // _GRP
_NGRP = HIST * _SPLIT
_NBUF = 4


def kernel(x, table):
    mesh = plsc.VectorSubcoreMesh(core_axis_name="c", subcore_axis_name="s")

    scratch = [pltpu.VMEM((HIST, _B_W), jnp.int32)]
    scratch += [pltpu.VMEM((_GRP, EMBED_DIM), jnp.float32)] * _NBUF
    scratch += [pltpu.SemaphoreType.DMA] * (2 * _NBUF)

    @pl.kernel(
        out_type=jax.ShapeDtypeStruct((HIST, BATCH, EMBED_DIM), jnp.float32),
        mesh=mesh,
        compiler_params=pltpu.CompilerParams(use_tc_tiling_on_sc=False),
        scratch_types=scratch,
    )
    def k(xt_hbm, table_hbm, out_hbm, idx_v, *rest):
        bufs = rest[:_NBUF]
        gsem = rest[_NBUF:2 * _NBUF]
        wsem = rest[2 * _NBUF:]
        wid = lax.axis_index("s") * _NC + lax.axis_index("c")
        bbase = wid * _B_W
        pltpu.sync_copy(xt_hbm.at[:, pl.ds(bbase, _B_W)], idx_v)

        def wait_gather(b):
            pltpu.make_async_copy(
                table_hbm.at[pl.ds(0, _GRP)], bufs[b], gsem[b]).wait()

        def wait_write(b):
            pltpu.make_async_copy(
                bufs[b], out_hbm.at[0, pl.ds(0, _GRP)], wsem[b]).wait()

        def fire_gather(b, j):
            h = j // _SPLIT
            s = j % _SPLIT
            pltpu.async_copy(
                table_hbm.at[idx_v.at[h, pl.ds(s * _GRP, _GRP)]], bufs[b],
                gsem[b])

        def fire_write(b, j):
            h = j // _SPLIT
            s = j % _SPLIT
            pltpu.async_copy(
                bufs[b],
                out_hbm.at[h, pl.ds(bbase + s * _GRP, _GRP)], wsem[b])

        for b in range(_NBUF):
            fire_gather(b, b)

        def outer(g, carry):
            for b in range(_NBUF):
                j = g * _NBUF + b
                wait_gather(b)
                fire_write(b, j)
                bp = (b - 1) % _NBUF
                jp = j - 1
                jn = jp + _NBUF

                @pl.when(jp >= 0)
                def _():
                    wait_write(bp)

                @pl.when(jnp.logical_and(jp >= 0, jn < _NGRP))
                def _():
                    fire_gather(bp, jn)
            return carry

        lax.fori_loop(0, _NGRP // _NBUF, outer, 0)
        wait_write((_NGRP - 1) % _NBUF)

    out_t = k(x.T, table)
    return out_t.transpose(1, 0, 2)

# --- scband reference (transcript-rebuilt; emitter-appended) ---
"""Pipeline reference for scband-input-embedding-21431886807361 (READ-ONLY COPY).

The authoritative reference and input builder live on the scoring server;
editing this copy changes nothing except your own understanding.
"""

import jax, jax.numpy as jnp
import numpy as np

VOCAB = 1000000
EMBED_DIM = 64
BATCH = 16384
HIST = 50

def setup_inputs(seed: int = 0) -> dict:
    key = jax.random.key(seed)
    k_idx, k_tab = jax.random.split(key)
    x = jax.random.randint(k_idx, (BATCH, HIST), 0, VOCAB, dtype=jnp.int64 if jax.config.jax_enable_x64 else jnp.int32)
    table = jax.random.normal(k_tab, (VOCAB, EMBED_DIM), dtype=jnp.float32) * 0.02
    return {"x": x, "table": table}

def reference(x, table):
    # InputEmbedding forward: embedding lookup
    return jnp.take(table, x, axis=0)

if __name__ == "__main__":
    import jax
    _d = setup_inputs()
    print(jax.jit(kernel)(*tuple(_d.values())))

</pallas_src>

<mosaic_0001>
#map = affine_map<(d0, d1) -> (0, 0)>
#map1 = affine_map<(d0, d1) -> (0, 0, 0)>
module attributes {stable_mosaic.version = 14 : i64} {
  func.func @k(%arg0: i32, %arg1: i32, %arg2: memref<50x16384xi32, #tpu.memory_space<hbm>>, %arg3: memref<1000000x64xf32, #tpu.memory_space<hbm>>, %arg4: memref<50x16384x64xf32, #tpu.memory_space<hbm>>, %arg5: memref<50x512xi32, #tpu.memory_space<vmem>>, %arg6: memref<256x64xf32, #tpu.memory_space<vmem>>, %arg7: memref<256x64xf32, #tpu.memory_space<vmem>>, %arg8: memref<256x64xf32, #tpu.memory_space<vmem>>, %arg9: memref<256x64xf32, #tpu.memory_space<vmem>>, %arg10: memref<!tpu.dma_semaphore, #tpu.memory_space<semaphore_mem>>, %arg11: memref<!tpu.dma_semaphore, #tpu.memory_space<semaphore_mem>>, %arg12: memref<!tpu.dma_semaphore, #tpu.memory_space<semaphore_mem>>, %arg13: memref<!tpu.dma_semaphore, #tpu.memory_space<semaphore_mem>>, %arg14: memref<!tpu.dma_semaphore, #tpu.memory_space<semaphore_mem>>, %arg15: memref<!tpu.dma_semaphore, #tpu.memory_space<semaphore_mem>>, %arg16: memref<!tpu.dma_semaphore, #tpu.memory_space<semaphore_mem>>, %arg17: memref<!tpu.dma_semaphore, #tpu.memory_space<semaphore_mem>>) attributes {dimension_semantics = [#tpu.dimension_semantics<core_parallel>, #tpu.dimension_semantics<subcore_parallel>], iteration_bounds = array<i64: 2, 16>, scalar_prefetch = 0 : i64, scratch_operands = 13 : i64, tpu.core_type = #tpu.core_type<sc_vector_subcore>, window_params = [{transform_indices = #map}, {transform_indices = #map}, {transform_indices = #map1}]} {
    %mul3A = arith.constant 2 : i32
    %mul3A_0 = arith.muli %arg1, %mul3A : i32
    %add3A = arith.addi %mul3A_0, %arg0 : i32
    %mul3A_1 = arith.constant 512 : i32
    %mul3A_2 = arith.muli %add3A, %mul3A_1 : i32
    "tpu.region"() ({
      %run_scoped3A = tpu.sem_alloc : memref<!tpu.dma_semaphore, #tpu.memory_space<semaphore_mem>>
      %dma_start3A_43 = arith.constant 0 : i32
      %dma_start3A_44 = tpu.memref_slice %arg2[%dma_start3A_43, %mul3A_2] : memref<50x16384xi32, #tpu.memory_space<hbm>> -> memref<50x512xi32, #tpu.memory_space<hbm>>
      %dma_start3A_45 = arith.constant 0 : i32
      %dma_start3A_46 = tpu.memref_slice %arg2[%dma_start3A_45, %mul3A_2] : memref<50x16384xi32, #tpu.memory_space<hbm>> -> memref<50x512xi32, #tpu.memory_space<hbm>>
      tpu.enqueue_dma source(%dma_start3A_46 : memref<50x512xi32, #tpu.memory_space<hbm>>) target(%arg5 : memref<50x512xi32, #tpu.memory_space<vmem>>) target_semaphore(%run_scoped3A : memref<!tpu.dma_semaphore, #tpu.memory_space<semaphore_mem>>)
      %dma_wait3A_47 = arith.constant 0 : i32
      %dma_wait3A_48 = tpu.memref_slice %arg2[%dma_wait3A_47, %mul3A_2] : memref<50x16384xi32, #tpu.memory_space<hbm>> -> memref<50x512xi32, #tpu.memory_space<hbm>>
      %dma_wait3A_49 = arith.constant 0 : i32
      %dma_wait3A_50 = tpu.memref_slice %arg2[%dma_wait3A_49, %mul3A_2] : memref<50x16384xi32, #tpu.memory_space<hbm>> -> memref<50x512xi32, #tpu.memory_space<hbm>>
      tpu.wait_dma2 semaphore(%run_scoped3A : memref<!tpu.dma_semaphore, #tpu.memory_space<semaphore_mem>>) src(%dma_wait3A_50 : memref<50x512xi32, #tpu.memory_space<hbm>>) dst(%arg5 : memref<50x512xi32, #tpu.memory_space<vmem>>)
      tpu.yield
    }) : () -> ()
    %dma_start3A = arith.constant 0 : i32
    %dma_start3A_3 = arith.constant 0 : i32
    %dma_start3A_4 = tpu.memref_slice %arg5[%dma_start3A, %dma_start3A_3] : memref<50x512xi32, #tpu.memory_space<vmem>> -> memref<1x256xi32, #tpu.memory_space<vmem>>
    %dma_start3A_5 = tpu.memref_squeeze %dma_start3A_4 : memref<1x256xi32, #tpu.memory_space<vmem>> -> memref<256xi32, #tpu.memory_space<vmem>>
    %dma_start3A_6 = arith.constant 0 : i32
    %dma_start3A_7 = arith.constant 0 : i32
    %dma_start3A_8 = tpu.memref_slice %arg3[%dma_start3A_6, %dma_start3A_7] : memref<1000000x64xf32, #tpu.memory_space<hbm>> -> memref<1000000x64xf32, #tpu.memory_space<hbm>>
    tpu.enqueue_indirect_dma source(%dma_start3A_8 : memref<1000000x64xf32, #tpu.memory_space<hbm>>) target(%arg6 : memref<256x64xf32, #tpu.memory_space<vmem>>) offsets(%dma_start3A_5 : memref<256xi32, #tpu.memory_space<vmem>>) semaphore(%arg10 : memref<!tpu.dma_semaphore, #tpu.memory_space<semaphore_mem>>)
    %dma_start3A_9 = arith.constant 0 : i32
    %dma_start3A_10 = arith.constant 256 : i32
    %dma_start3A_11 = tpu.memref_slice %arg5[%dma_start3A_9, %dma_start3A_10] : memref<50x512xi32, #tpu.memory_space<vmem>> -> memref<1x256xi32, #tpu.memory_space<vmem>>
    %dma_start3A_12 = tpu.memref_squeeze %dma_start3A_11 : memref<1x256xi32, #tpu.memory_space<vmem>> -> memref<256xi32, #tpu.memory_space<vmem>>
    %dma_start3A_13 = arith.constant 0 : i32
    %dma_start3A_14 = arith.constant 0 : i32
    %dma_start3A_15 = tpu.memref_slice %arg3[%dma_start3A_13, %dma_start3A_14] : memref<1000000x64xf32, #tpu.memory_space<hbm>> -> memref<1000000x64xf32, #tpu.memory_space<hbm>>
    tpu.enqueue_indirect_dma source(%dma_start3A_15 : memref<1000000x64xf32, #tpu.memory_space<hbm>>) target(%arg7 : memref<256x64xf32, #tpu.memory_space<vmem>>) offsets(%dma_start3A_12 : memref<256xi32, #tpu.memory_space<vmem>>) semaphore(%arg11 : memref<!tpu.dma_semaphore, #tpu.memory_space<semaphore_mem>>)
    %dma_start3A_16 = arith.constant 1 : i32
    %dma_start3A_17 = arith.constant 0 : i32
    %dma_start3A_18 = tpu.memref_slice %arg5[%dma_start3A_16, %dma_start3A_17] : memref<50x512xi32, #tpu.memory_space<vmem>> -> memref<1x256xi32, #tpu.memory_space<vmem>>
    %dma_start3A_19 = tpu.memref_squeeze %dma_start3A_18 : memref<1x256xi32, #tpu.memory_space<vmem>> -> memref<256xi32, #tpu.memory_space<vmem>>
    %dma_start3A_20 = arith.constant 0 : i32
    %dma_start3A_21 = arith.constant 0 : i32
    %dma_start3A_22 = tpu.memref_slice %arg3[%dma_start3A_20, %dma_start3A_21] : memref<1000000x64xf32, #tpu.memory_space<hbm>> -> memref<1000000x64xf32, #tpu.memory_space<hbm>>
    tpu.enqueue_indirect_dma source(%dma_start3A_22 : memref<1000000x64xf32, #tpu.memory_space<hbm>>) target(%arg8 : memref<256x64xf32, #tpu.memory_space<vmem>>) offsets(%dma_start3A_19 : memref<256xi32, #tpu.memory_space<vmem>>) semaphore(%arg12 : memref<!tpu.dma_semaphore, #tpu.memory_space<semaphore_mem>>)
    %dma_start3A_23 = arith.constant 1 : i32
    %dma_start3A_24 = arith.constant 256 : i32
    %dma_start3A_25 = tpu.memref_slice %arg5[%dma_start3A_23, %dma_start3A_24] : memref<50x512xi32, #tpu.memory_space<vmem>> -> memref<1x256xi32, #tpu.memory_space<vmem>>
    %dma_start3A_26 = tpu.memref_squeeze %dma_start3A_25 : memref<1x256xi32, #tpu.memory_space<vmem>> -> memref<256xi32, #tpu.memory_space<vmem>>
    %dma_start3A_27 = arith.constant 0 : i32
    %dma_start3A_28 = arith.constant 0 : i32
    %dma_start3A_29 = tpu.memref_slice %arg3[%dma_start3A_27, %dma_start3A_28] : memref<1000000x64xf32, #tpu.memory_space<hbm>> -> memref<1000000x64xf32, #tpu.memory_space<hbm>>
    tpu.enqueue_indirect_dma source(%dma_start3A_29 : memref<1000000x64xf32, #tpu.memory_space<hbm>>) target(%arg9 : memref<256x64xf32, #tpu.memory_space<vmem>>) offsets(%dma_start3A_26 : memref<256xi32, #tpu.memory_space<vmem>>) semaphore(%arg13 : memref<!tpu.dma_semaphore, #tpu.memory_space<semaphore_mem>>)
    %scan3A = arith.constant 0 : i32
    %scan3A_30 = arith.constant 0 : i32
    %scan3A_31 = arith.constant 25 : i32
    %scan3A_32 = arith.addi %scan3A_30, %scan3A_31 : i32
    %scan3A_33 = arith.constant 1 : i32
    scf.for %scan3A_43 = %scan3A_30 to %scan3A_32 step %scan3A_33  : i32 {
      %mul3A_44 = arith.constant 4 : i32
      %mul3A_45 = arith.muli %scan3A_43, %mul3A_44 : i32
      %add3A_46 = arith.constant 0 : i32
      %add3A_47 = arith.addi %mul3A_45, %add3A_46 : i32
      %dma_wait3A_48 = arith.constant 0 : i32
      %dma_wait3A_49 = arith.constant 0 : i32
      %dma_wait3A_50 = tpu.memref_slice %arg3[%dma_wait3A_48, %dma_wait3A_49] : memref<1000000x64xf32, #tpu.memory_space<hbm>> -> memref<256x64xf32, #tpu.memory_space<hbm>>
      %dma_wait3A_51 = arith.constant 0 : i32
      %dma_wait3A_52 = arith.constant 0 : i32
      %dma_wait3A_53 = tpu.memref_slice %arg3[%dma_wait3A_51, %dma_wait3A_52] : memref<1000000x64xf32, #tpu.memory_space<hbm>> -> memref<256x64xf32, #tpu.memory_space<hbm>>
      tpu.wait_dma2 semaphore(%arg10 : memref<!tpu.dma_semaphore, #tpu.memory_space<semaphore_mem>>) src(%dma_wait3A_53 : memref<256x64xf32, #tpu.memory_space<hbm>>) dst(%arg6 : memref<256x64xf32, #tpu.memory_space<vmem>>)
      %jit3A = arith.constant 2 : i32
      %div3A = arith.divsi %add3A_47, %jit3A : i32
      %sign3A = arith.constant 0 : i32
      %sign3A_54 = arith.cmpi sgt, %add3A_47, %sign3A : i32
      %sign3A_55 = arith.extui %sign3A_54 : i1 to i32
      %sign3A_56 = arith.constant 0 : i32
      %sign3A_57 = arith.cmpi slt, %add3A_47, %sign3A_56 : i32
      %sign3A_58 = arith.extui %sign3A_57 : i1 to i32
      %sign3A_59 = arith.subi %sign3A_55, %sign3A_58 : i32
      %sign3A_60 = arith.constant 0 : i32
      %sign3A_61 = arith.cmpi sgt, %jit3A, %sign3A_60 : i32
      %sign3A_62 = arith.extui %sign3A_61 : i1 to i32
      %sign3A_63 = arith.constant 0 : i32
      %sign3A_64 = arith.cmpi slt, %jit3A, %sign3A_63 : i32
      %sign3A_65 = arith.extui %sign3A_64 : i1 to i32
      %sign3A_66 = arith.subi %sign3A_62, %sign3A_65 : i32
      %ne3A = arith.cmpi ne, %sign3A_59, %sign3A_66 : i32
      %rem3A = arith.remsi %add3A_47, %jit3A : i32
      %ne3A_67 = arith.constant 0 : i32
      %ne3A_68 = arith.cmpi ne, %rem3A, %ne3A_67 : i32
      %and3A = arith.andi %ne3A, %ne3A_68 : i1
      %sub3A = arith.constant 1 : i32
      %sub3A_69 = arith.subi %div3A, %sub3A : i32
      %select_n3A = arith.select %and3A, %sub3A_69, %div3A : i32
      %jit3A_70 = arith.constant 2 : i32
      %eq3A = arith.constant 0 : i32
      %eq3A_71 = arith.cmpi eq, %jit3A_70, %eq3A : i32
      %jit3A_72 = arith.constant 1 : i32
      %select_n3A_73 = arith.select %eq3A_71, %jit3A_72, %jit3A_70 : i32
      %rem3A_74 = arith.remsi %add3A_47, %select_n3A_73 : i32
      %ne3A_75 = arith.constant 0 : i32
      %ne3A_76 = arith.cmpi ne, %rem3A_74, %ne3A_75 : i32
      %lt3A = arith.constant 0 : i32
      %lt3A_77 = arith.cmpi slt, %rem3A_74, %lt3A : i32
      %lt3A_78 = arith.constant 0 : i32
      %lt3A_79 = arith.cmpi slt, %select_n3A_73, %lt3A_78 : i32
      %ne3A_80 = arith.xori %lt3A_77, %lt3A_79 : i1
      %and3A_81 = arith.andi %ne3A_80, %ne3A_76 : i1
      %add3A_82 = arith.addi %rem3A_74, %select_n3A_73 : i32
      %select_n3A_83 = arith.select %and3A_81, %add3A_82, %rem3A_74 : i32
      %mul3A_84 = arith.constant 256 : i32
      %mul3A_85 = arith.muli %select_n3A_83, %mul3A_84 : i32
      %add3A_86 = arith.addi %mul3A_2, %mul3A_85 : i32
      %dma_start3A_87 = arith.constant 0 : i32
      %dma_start3A_88 = tpu.memref_slice %arg4[%select_n3A, %add3A_86, %dma_start3A_87] : memref<50x16384x64xf32, #tpu.memory_space<hbm>> -> memref<1x256x64xf32, #tpu.memory_space<hbm>>
      %dma_start3A_89 = tpu.memref_squeeze %dma_start3A_88 : memref<1x256x64xf32, #tpu.memory_space<hbm>> -> memref<256x64xf32, #tpu.memory_space<hbm>>
      %dma_start3A_90 = arith.constant 0 : i32
      %dma_start3A_91 = tpu.memref_slice %arg4[%select_n3A, %add3A_86, %dma_start3A_90] : memref<50x16384x64xf32, #tpu.memory_space<hbm>> -> memref<1x256x64xf32, #tpu.memory_space<hbm>>
      %dma_start3A_92 = tpu.memref_squeeze %dma_start3A_91 : memref<1x256x64xf32, #tpu.memory_space<hbm>> -> memref<256x64xf32, #tpu.memory_space<hbm>>
      tpu.enqueue_dma source(%arg6 : memref<256x64xf32, #tpu.memory_space<vmem>>) target(%dma_start3A_92 : memref<256x64xf32, #tpu.memory_space<hbm>>) target_semaphore(%arg14 : memref<!tpu.dma_semaphore, #tpu.memory_space<semaphore_mem>>)
      %sub3A_93 = arith.constant 1 : i32
      %sub3A_94 = arith.subi %add3A_47, %sub3A_93 : i32
      %add3A_95 = arith.constant 4 : i32
      %add3A_96 = arith.addi %sub3A_94, %add3A_95 : i32
      %ge3A = arith.constant 0 : i32
      %ge3A_97 = arith.cmpi sge, %sub3A_94, %ge3A : i32
      %convert_element_type3A = arith.extui %ge3A_97 : i1 to i32
      %cond3A = arith.constant 0 : i32
      %cond3A_98 = arith.cmpi ne, %convert_element_type3A, %cond3A : i32
      scf.if %cond3A_98 {
        %dma_wait3A_335 = arith.constant 0 : i32
        %dma_wait3A_336 = arith.constant 0 : i32
        %dma_wait3A_337 = arith.constant 0 : i32
        %dma_wait3A_338 = tpu.memref_slice %arg4[%dma_wait3A_335, %dma_wait3A_336, %dma_wait3A_337] : memref<50x16384x64xf32, #tpu.memory_space<hbm>> -> memref<1x256x64xf32, #tpu.memory_space<hbm>>
        %dma_wait3A_339 = tpu.memref_squeeze %dma_wait3A_338 : memref<1x256x64xf32, #tpu.memory_space<hbm>> -> memref<256x64xf32, #tpu.memory_space<hbm>>
        %dma_wait3A_340 = arith.constant 0 : i32
        %dma_wait3A_341 = arith.constant 0 : i32
        %dma_wait3A_342 = tpu.memref_slice %arg4[%dma_wait3A_335, %dma_wait3A_340, %dma_wait3A_341] : memref<50x16384x64xf32, #tpu.memory_space<hbm>> -> memref<1x256x64xf32, #tpu.memory_space<hbm>>
        %dma_wait3A_343 = tpu.memref_squeeze %dma_wait3A_342 : memref<1x256x64xf32, #tpu.memory_space<hbm>> -> memref<256x64xf32, #tpu.memory_space<hbm>>
        tpu.wait_dma2 semaphore(%arg17 : memref<!tpu.dma_semaphore, #tpu.memory_space<semaphore_mem>>) src(%arg9 : memref<256x64xf32, #tpu.memory_space<vmem>>) dst(%dma_wait3A_343 : memref<256x64xf32, #tpu.memory_space<hbm>>)
      } else {
      }
      %ge3A_99 = arith.constant 0 : i32
      %ge3A_100 = arith.cmpi sge, %sub3A_94, %ge3A_99 : i32
      %lt3A_101 = arith.constant 100 : i32
      %lt3A_102 = arith.cmpi slt, %add3A_96, %lt3A_101 : i32
      %and3A_103 = arith.andi %ge3A_100, %lt3A_102 : i1
      %convert_element_type3A_104 = arith.extui %and3A_103 : i1 to i32
      %cond3A_105 = arith.constant 0 : i32
      %cond3A_106 = arith.cmpi ne, %convert_element_type3A_104, %cond3A_105 : i32
      scf.if %cond3A_106 {
        %jit3A_335 = arith.constant 2 : i32
        %div3A_336 = arith.divsi %add3A_96, %jit3A_335 : i32
        %sign3A_337 = arith.constant 0 : i32
        %sign3A_338 = arith.cmpi sgt, %add3A_96, %sign3A_337 : i32
        %sign3A_339 = arith.extui %sign3A_338 : i1 to i32
        %sign3A_340 = arith.constant 0 : i32
        %sign3A_341 = arith.cmpi slt, %add3A_96, %sign3A_340 : i32
        %sign3A_342 = arith.extui %sign3A_341 : i1 to i32
        %sign3A_343 = arith.subi %sign3A_339, %sign3A_342 : i32
        %sign3A_344 = arith.constant 0 : i32
        %sign3A_345 = arith.cmpi sgt, %jit3A_335, %sign3A_344 : i32
        %sign3A_346 = arith.extui %sign3A_345 : i1 to i32
        %sign3A_347 = arith.constant 0 : i32
        %sign3A_348 = arith.cmpi slt, %jit3A_335, %sign3A_347 : i32
        %sign3A_349 = arith.extui %sign3A_348 : i1 to i32
        %sign3A_350 = arith.subi %sign3A_346, %sign3A_349 : i32
        %ne3A_351 = arith.cmpi ne, %sign3A_343, %sign3A_350 : i32
        %rem3A_352 = arith.remsi %add3A_96, %jit3A_335 : i32
        %ne3A_353 = arith.constant 0 : i32
        %ne3A_354 = arith.cmpi ne, %rem3A_352, %ne3A_353 : i32
        %and3A_355 = arith.andi %ne3A_351, %ne3A_354 : i1
        %sub3A_356 = arith.constant 1 : i32
        %sub3A_357 = arith.subi %div3A_336, %sub3A_356 : i32
        %select_n3A_358 = arith.select %and3A_355, %sub3A_357, %div3A_336 : i32
        %jit3A_359 = arith.constant 2 : i32
        %eq3A_360 = arith.constant 0 : i32
        %eq3A_361 = arith.cmpi eq, %jit3A_359, %eq3A_360 : i32
        %jit3A_362 = arith.constant 1 : i32
        %select_n3A_363 = arith.select %eq3A_361, %jit3A_362, %jit3A_359 : i32
        %rem3A_364 = arith.remsi %add3A_96, %select_n3A_363 : i32
        %ne3A_365 = arith.constant 0 : i32
        %ne3A_366 = arith.cmpi ne, %rem3A_364, %ne3A_365 : i32
        %lt3A_367 = arith.constant 0 : i32
        %lt3A_368 = arith.cmpi slt, %rem3A_364, %lt3A_367 : i32
        %lt3A_369 = arith.constant 0 : i32
        %lt3A_370 = arith.cmpi slt, %select_n3A_363, %lt3A_369 : i32
        %ne3A_371 = arith.xori %lt3A_368, %lt3A_370 : i1
        %and3A_372 = arith.andi %ne3A_371, %ne3A_366 : i1
        %add3A_373 = arith.addi %rem3A_364, %select_n3A_363 : i32
        %select_n3A_374 = arith.select %and3A_372, %add3A_373, %rem3A_364 : i32
        %mul3A_375 = arith.constant 256 : i32
        %mul3A_376 = arith.muli %select_n3A_374, %mul3A_375 : i32
        %dma_start3A_377 = tpu.memref_slice %arg5[%select_n3A_358, %mul3A_376] : memref<50x512xi32, #tpu.memory_space<vmem>> -> memref<1x256xi32, #tpu.memory_space<vmem>>
        %dma_start3A_378 = tpu.memref_squeeze %dma_start3A_377 : memref<1x256xi32, #tpu.memory_space<vmem>> -> memref<256xi32, #tpu.memory_space<vmem>>
        %dma_start3A_379 = arith.constant 0 : i32
        %dma_start3A_380 = arith.constant 0 : i32
        %dma_start3A_381 = tpu.memref_slice %arg3[%dma_start3A_379, %dma_start3A_380] : memref<1000000x64xf32, #tpu.memory_space<hbm>> -> memref<1000000x64xf32, #tpu.memory_space<hbm>>
        tpu.enqueue_indirect_dma source(%dma_start3A_381 : memref<1000000x64xf32, #tpu.memory_space<hbm>>) target(%arg9 : memref<256x64xf32, #tpu.memory_space<vmem>>) offsets(%dma_start3A_378 : memref<256xi32, #tpu.memory_space<vmem>>) semaphore(%arg13 : memref<!tpu.dma_semaphore, #tpu.memory_space<semaphore_mem>>)
      } else {
      }
      %mul3A_107 = arith.constant 4 : i32
      %mul3A_108 = arith.muli %scan3A_43, %mul3A_107 : i32
      %add3A_109 = arith.constant 1 : i32
      %add3A_110 = arith.addi %mul3A_108, %add3A_109 : i32
      %dma_wait3A_111 = arith.constant 0 : i32
      %dma_wait3A_112 = arith.constant 0 : i32
      %dma_wait3A_113 = tpu.memref_slice %arg3[%dma_wait3A_111, %dma_wait3A_112] : memref<1000000x64xf32, #tpu.memory_space<hbm>> -> memref<256x64xf32, #tpu.memory_space<hbm>>
      %dma_wait3A_114 = arith.constant 0 : i32
      %dma_wait3A_115 = arith.constant 0 : i32
      %dma_wait3A_116 = tpu.memref_slice %arg3[%dma_wait3A_114, %dma_wait3A_115] : memref<1000000x64xf32, #tpu.memory_space<hbm>> -> memref<256x64xf32, #tpu.memory_space<hbm>>
      tpu.wait_dma2 semaphore(%arg11 : memref<!tpu.dma_semaphore, #tpu.memory_space<semaphore_mem>>) src(%dma_wait3A_116 : memref<256x64xf32, #tpu.memory_space<hbm>>) dst(%arg7 : memref<256x64xf32, #tpu.memory_space<vmem>>)
      %jit3A_117 = arith.constant 2 : i32
      %div3A_118 = arith.divsi %add3A_110, %jit3A_117 : i32
      %sign3A_119 = arith.constant 0 : i32
      %sign3A_120 = arith.cmpi sgt, %add3A_110, %sign3A_119 : i32
      %sign3A_121 = arith.extui %sign3A_120 : i1 to i32
      %sign3A_122 = arith.constant 0 : i32
      %sign3A_123 = arith.cmpi slt, %add3A_110, %sign3A_122 : i32
      %sign3A_124 = arith.extui %sign3A_123 : i1 to i32
      %sign3A_125 = arith.subi %sign3A_121, %sign3A_124 : i32
      %sign3A_126 = arith.constant 0 : i32
      %sign3A_127 = arith.cmpi sgt, %jit3A_117, %sign3A_126 : i32
      %sign3A_128 = arith.extui %sign3A_127 : i1 to i32
      %sign3A_129 = arith.constant 0 : i32
      %sign3A_130 = arith.cmpi slt, %jit3A_117, %sign3A_129 : i32
      %sign3A_131 = arith.extui %sign3A_130 : i1 to i32
      %sign3A_132 = arith.subi %sign3A_128, %sign3A_131 : i32
      %ne3A_133 = arith.cmpi ne, %sign3A_125, %sign3A_132 : i32
      %rem3A_134 = arith.remsi %add3A_110, %jit3A_117 : i32
      %ne3A_135 = arith.constant 0 : i32
      %ne3A_136 = arith.cmpi ne, %rem3A_134, %ne3A_135 : i32
      %and3A_137 = arith.andi %ne3A_133, %ne3A_136 : i1
      %sub3A_138 = arith.constant 1 : i32
      %sub3A_139 = arith.subi %div3A_118, %sub3A_138 : i32
      %select_n3A_140 = arith.select %and3A_137, %sub3A_139, %div3A_118 : i32
      %jit3A_141 = arith.constant 2 : i32
      %eq3A_142 = arith.constant 0 : i32
      %eq3A_143 = arith.cmpi eq, %jit3A_141, %eq3A_142 : i32
      %jit3A_144 = arith.constant 1 : i32
      %select_n3A_145 = arith.select %eq3A_143, %jit3A_144, %jit3A_141 : i32
      %rem3A_146 = arith.remsi %add3A_110, %select_n3A_145 : i32
      %ne3A_147 = arith.constant 0 : i32
      %ne3A_148 = arith.cmpi ne, %rem3A_146, %ne3A_147 : i32
      %lt3A_149 = arith.constant 0 : i32
      %lt3A_150 = arith.cmpi slt, %rem3A_146, %lt3A_149 : i32
      %lt3A_151 = arith.constant 0 : i32
      %lt3A_152 = arith.cmpi slt, %select_n3A_145, %lt3A_151 : i32
      %ne3A_153 = arith.xori %lt3A_150, %lt3A_152 : i1
      %and3A_154 = arith.andi %ne3A_153, %ne3A_148 : i1
      %add3A_155 = arith.addi %rem3A_146, %select_n3A_145 : i32
      %select_n3A_156 = arith.select %and3A_154, %add3A_155, %rem3A_146 : i32
      %mul3A_157 = arith.constant 256 : i32
      %mul3A_158 = arith.muli %select_n3A_156, %mul3A_157 : i32
      %add3A_159 = arith.addi %mul3A_2, %mul3A_158 : i32
      %dma_start3A_160 = arith.constant 0 : i32
      %dma_start3A_161 = tpu.memref_slice %arg4[%select_n3A_140, %add3A_159, %dma_start3A_160] : memref<50x16384x64xf32, #tpu.memory_space<hbm>> -> memref<1x256x64xf32, #tpu.memory_space<hbm>>
      %dma_start3A_162 = tpu.memref_squeeze %dma_start3A_161 : memref<1x256x64xf32, #tpu.memory_space<hbm>> -> memref<256x64xf32, #tpu.memory_space<hbm>>
      %dma_start3A_163 = arith.constant 0 : i32
      %dma_start3A_164 = tpu.memref_slice %arg4[%select_n3A_140, %add3A_159, %dma_start3A_163] : memref<50x16384x64xf32, #tpu.memory_space<hbm>> -> memref<1x256x64xf32, #tpu.memory_space<hbm>>
      %dma_start3A_165 = tpu.memref_squeeze %dma_start3A_164 : memref<1x256x64xf32, #tpu.memory_space<hbm>> -> memref<256x64xf32, #tpu.memory_space<hbm>>
      tpu.enqueue_dma source(%arg7 : memref<256x64xf32, #tpu.memory_space<vmem>>) target(%dma_start3A_165 : memref<256x64xf32, #tpu.memory_space<hbm>>) target_semaphore(%arg15 : memref<!tpu.dma_semaphore, #tpu.memory_space<semaphore_mem>>)
      %sub3A_166 = arith.constant 1 : i32
      %sub3A_167 = arith.subi %add3A_110, %sub3A_166 : i32
      %add3A_168 = arith.constant 4 : i32
      %add3A_169 = arith.addi %sub3A_167, %add3A_168 : i32
      %ge3A_170 = arith.constant 0 : i32
      %ge3A_171 = arith.cmpi sge, %sub3A_167, %ge3A_170 : i32
      %convert_element_type3A_172 = arith.extui %ge3A_171 : i1 to i32
      %cond3A_173 = arith.constant 0 : i32
      %cond3A_174 = arith.cmpi ne, %convert_element_type3A_172, %cond3A_173 : i32
      scf.if %cond3A_174 {
        %dma_wait3A_335 = arith.constant 0 : i32
        %dma_wait3A_336 = arith.constant 0 : i32
        %dma_wait3A_337 = arith.constant 0 : i32
        %dma_wait3A_338 = tpu.memref_slice %arg4[%dma_wait3A_335, %dma_wait3A_336, %dma_wait3A_337] : memref<50x16384x64xf32, #tpu.memory_space<hbm>> -> memref<1x256x64xf32, #tpu.memory_space<hbm>>
        %dma_wait3A_339 = tpu.memref_squeeze %dma_wait3A_338 : memref<1x256x64xf32, #tpu.memory_space<hbm>> -> memref<256x64xf32, #tpu.memory_space<hbm>>
        %dma_wait3A_340 = arith.constant 0 : i32
        %dma_wait3A_341 = arith.constant 0 : i32
        %dma_wait3A_342 = tpu.memref_slice %arg4[%dma_wait3A_335, %dma_wait3A_340, %dma_wait3A_341] : memref<50x16384x64xf32, #tpu.memory_space<hbm>> -> memref<1x256x64xf32, #tpu.memory_space<hbm>>
        %dma_wait3A_343 = tpu.memref_squeeze %dma_wait3A_342 : memref<1x256x64xf32, #tpu.memory_space<hbm>> -> memref<256x64xf32, #tpu.memory_space<hbm>>
        tpu.wait_dma2 semaphore(%arg14 : memref<!tpu.dma_semaphore, #tpu.memory_space<semaphore_mem>>) src(%arg6 : memref<256x64xf32, #tpu.memory_space<vmem>>) dst(%dma_wait3A_343 : memref<256x64xf32, #tpu.memory_space<hbm>>)
      } else {
      }
      %ge3A_175 = arith.constant 0 : i32
      %ge3A_176 = arith.cmpi sge, %sub3A_167, %ge3A_175 : i32
      %lt3A_177 = arith.constant 100 : i32
      %lt3A_178 = arith.cmpi slt, %add3A_169, %lt3A_177 : i32
      %and3A_179 = arith.andi %ge3A_176, %lt3A_178 : i1
      %convert_element_type3A_180 = arith.extui %and3A_179 : i1 to i32
      %cond3A_181 = arith.constant 0 : i32
      %cond3A_182 = arith.cmpi ne, %convert_element_type3A_180, %cond3A_181 : i32
      scf.if %cond3A_182 {
        %jit3A_335 = arith.constant 2 : i32
        %div3A_336 = arith.divsi %add3A_169, %jit3A_335 : i32
        %sign3A_337 = arith.constant 0 : i32
        %sign3A_338 = arith.cmpi sgt, %add3A_169, %sign3A_337 : i32
        %sign3A_339 = arith.extui %sign3A_338 : i1 to i32
        %sign3A_340 = arith.constant 0 : i32
        %sign3A_341 = arith.cmpi slt, %add3A_169, %sign3A_340 : i32
        %sign3A_342 = arith.extui %sign3A_341 : i1 to i32
        %sign3A_343 = arith.subi %sign3A_339, %sign3A_342 : i32
        %sign3A_344 = arith.constant 0 : i32
        %sign3A_345 = arith.cmpi sgt, %jit3A_335, %sign3A_344 : i32
        %sign3A_346 = arith.extui %sign3A_345 : i1 to i32
        %sign3A_347 = arith.constant 0 : i32
        %sign3A_348 = arith.cmpi slt, %jit3A_335, %sign3A_347 : i32
        %sign3A_349 = arith.extui %sign3A_348 : i1 to i32
        %sign3A_350 = arith.subi %sign3A_346, %sign3A_349 : i32
        %ne3A_351 = arith.cmpi ne, %sign3A_343, %sign3A_350 : i32
        %rem3A_352 = arith.remsi %add3A_169, %jit3A_335 : i32
        %ne3A_353 = arith.constant 0 : i32
        %ne3A_354 = arith.cmpi ne, %rem3A_352, %ne3A_353 : i32
        %and3A_355 = arith.andi %ne3A_351, %ne3A_354 : i1
        %sub3A_356 = arith.constant 1 : i32
        %sub3A_357 = arith.subi %div3A_336, %sub3A_356 : i32
        %select_n3A_358 = arith.select %and3A_355, %sub3A_357, %div3A_336 : i32
        %jit3A_359 = arith.constant 2 : i32
        %eq3A_360 = arith.constant 0 : i32
        %eq3A_361 = arith.cmpi eq, %jit3A_359, %eq3A_360 : i32
        %jit3A_362 = arith.constant 1 : i32
        %select_n3A_363 = arith.select %eq3A_361, %jit3A_362, %jit3A_359 : i32
        %rem3A_364 = arith.remsi %add3A_169, %select_n3A_363 : i32
        %ne3A_365 = arith.constant 0 : i32
        %ne3A_366 = arith.cmpi ne, %rem3A_364, %ne3A_365 : i32
        %lt3A_367 = arith.constant 0 : i32
        %lt3A_368 = arith.cmpi slt, %rem3A_364, %lt3A_367 : i32
        %lt3A_369 = arith.constant 0 : i32
        %lt3A_370 = arith.cmpi slt, %select_n3A_363, %lt3A_369 : i32
        %ne3A_371 = arith.xori %lt3A_368, %lt3A_370 : i1
        %and3A_372 = arith.andi %ne3A_371, %ne3A_366 : i1
        %add3A_373 = arith.addi %rem3A_364, %select_n3A_363 : i32
        %select_n3A_374 = arith.select %and3A_372, %add3A_373, %rem3A_364 : i32
        %mul3A_375 = arith.constant 256 : i32
        %mul3A_376 = arith.muli %select_n3A_374, %mul3A_375 : i32
        %dma_start3A_377 = tpu.memref_slice %arg5[%select_n3A_358, %mul3A_376] : memref<50x512xi32, #tpu.memory_space<vmem>> -> memref<1x256xi32, #tpu.memory_space<vmem>>
        %dma_start3A_378 = tpu.memref_squeeze %dma_start3A_377 : memref<1x256xi32, #tpu.memory_space<vmem>> -> memref<256xi32, #tpu.memory_space<vmem>>
        %dma_start3A_379 = arith.constant 0 : i32
        %dma_start3A_380 = arith.constant 0 : i32
        %dma_start3A_381 = tpu.memref_slice %arg3[%dma_start3A_379, %dma_start3A_380] : memref<1000000x64xf32, #tpu.memory_space<hbm>> -> memref<1000000x64xf32, #tpu.memory_space<hbm>>
        tpu.enqueue_indirect_dma source(%dma_start3A_381 : memref<1000000x64xf32, #tpu.memory_space<hbm>>) target(%arg6 : memref<256x64xf32, #tpu.memory_space<vmem>>) offsets(%dma_start3A_378 : memref<256xi32, #tpu.memory_space<vmem>>) semaphore(%arg10 : memref<!tpu.dma_semaphore, #tpu.memory_space<semaphore_mem>>)
      } else {
      }
      %mul3A_183 = arith.constant 4 : i32
      %mul3A_184 = arith.muli %scan3A_43, %mul3A_183 : i32
      %add3A_185 = arith.constant 2 : i32
      %add3A_186 = arith.addi %mul3A_184, %add3A_185 : i32
      %dma_wait3A_187 = arith.constant 0 : i32
      %dma_wait3A_188 = arith.constant 0 : i32
      %dma_wait3A_189 = tpu.memref_slice %arg3[%dma_wait3A_187, %dma_wait3A_188] : memref<1000000x64xf32, #tpu.memory_space<hbm>> -> memref<256x64xf32, #tpu.memory_space<hbm>>
      %dma_wait3A_190 = arith.constant 0 : i32
      %dma_wait3A_191 = arith.constant 0 : i32
      %dma_wait3A_192 = tpu.memref_slice %arg3[%dma_wait3A_190, %dma_wait3A_191] : memref<1000000x64xf32, #tpu.memory_space<hbm>> -> memref<256x64xf32, #tpu.memory_space<hbm>>
      tpu.wait_dma2 semaphore(%arg12 : memref<!tpu.dma_semaphore, #tpu.memory_space<semaphore_mem>>) src(%dma_wait3A_192 : memref<256x64xf32, #tpu.memory_space<hbm>>) dst(%arg8 : memref<256x64xf32, #tpu.memory_space<vmem>>)
      %jit3A_193 = arith.constant 2 : i32
      %div3A_194 = arith.divsi %add3A_186, %jit3A_193 : i32
      %sign3A_195 = arith.constant 0 : i32
      %sign3A_196 = arith.cmpi sgt, %add3A_186, %sign3A_195 : i32
      %sign3A_197 = arith.extui %sign3A_196 : i1 to i32
      %sign3A_198 = arith.constant 0 : i32
      %sign3A_199 = arith.cmpi slt, %add3A_186, %sign3A_198 : i32
      %sign3A_200 = arith.extui %sign3A_199 : i1 to i32
      %sign3A_201 = arith.subi %sign3A_197, %sign3A_200 : i32
      %sign3A_202 = arith.constant 0 : i32
      %sign3A_203 = arith.cmpi sgt, %jit3A_193, %sign3A_202 : i32
      %sign3A_204 = arith.extui %sign3A_203 : i1 to i32
      %sign3A_205 = arith.constant 0 : i32
      %sign3A_206 = arith.cmpi slt, %jit3A_193, %sign3A_205 : i32
      %sign3A_207 = arith.extui %sign3A_206 : i1 to i32
      %sign3A_208 = arith.subi %sign3A_204, %sign3A_207 : i32
      %ne3A_209 = arith.cmpi ne, %sign3A_201, %sign3A_208 : i32
      %rem3A_210 = arith.remsi %add3A_186, %jit3A_193 : i32
      %ne3A_211 = arith.constant 0 : i32
      %ne3A_212 = arith.cmpi ne, %rem3A_210, %ne3A_211 : i32
      %and3A_213 = arith.andi %ne3A_209, %ne3A_212 : i1
      %sub3A_214 = arith.constant 1 : i32
      %sub3A_215 = arith.subi %div3A_194, %sub3A_214 : i32
      %select_n3A_216 = arith.select %and3A_213, %sub3A_215, %div3A_194 : i32
      %jit3A_217 = arith.constant 2 : i32
      %eq3A_218 = arith.constant 0 : i32
      %eq3A_219 = arith.cmpi eq, %jit3A_217, %eq3A_218 : i32
      %jit3A_220 = arith.constant 1 : i32
      %select_n3A_221 = arith.select %eq3A_219, %jit3A_220, %jit3A_217 : i32
      %rem3A_222 = arith.remsi %add3A_186, %select_n3A_221 : i32
      %ne3A_223 = arith.constant 0 : i32
      %ne3A_224 = arith.cmpi ne, %rem3A_222, %ne3A_223 : i32
      %lt3A_225 = arith.constant 0 : i32
      %lt3A_226 = arith.cmpi slt, %rem3A_222, %lt3A_225 : i32
      %lt3A_227 = arith.constant 0 : i32
      %lt3A_228 = arith.cmpi slt, %select_n3A_221, %lt3A_227 : i32
      %ne3A_229 = arith.xori %lt3A_226, %lt3A_228 : i1
      %and3A_230 = arith.andi %ne3A_229, %ne3A_224 : i1
      %add3A_231 = arith.addi %rem3A_222, %select_n3A_221 : i32
      %select_n3A_232 = arith.select %and3A_230, %add3A_231, %rem3A_222 : i32
      %mul3A_233 = arith.constant 256 : i32
      %mul3A_234 = arith.muli %select_n3A_232, %mul3A_233 : i32
      %add3A_235 = arith.addi %mul3A_2, %mul3A_234 : i32
      %dma_start3A_236 = arith.constant 0 : i32
      %dma_start3A_237 = tpu.memref_slice %arg4[%select_n3A_216, %add3A_235, %dma_start3A_236] : memref<50x16384x64xf32, #tpu.memory_space<hbm>> -> memref<1x256x64xf32, #tpu.memory_space<hbm>>
      %dma_start3A_238 = tpu.memref_squeeze %dma_start3A_237 : memref<1x256x64xf32, #tpu.memory_space<hbm>> -> memref<256x64xf32, #tpu.memory_space<hbm>>
      %dma_start3A_239 = arith.constant 0 : i32
      %dma_start3A_240 = tpu.memref_slice %arg4[%select_n3A_216, %add3A_235, %dma_start3A_239] : memref<50x16384x64xf32, #tpu.memory_space<hbm>> -> memref<1x256x64xf32, #tpu.memory_space<hbm>>
      %dma_start3A_241 = tpu.memref_squeeze %dma_start3A_240 : memref<1x256x64xf32, #tpu.memory_space<hbm>> -> memref<256x64xf32, #tpu.memory_space<hbm>>
      tpu.enqueue_dma source(%arg8 : memref<256x64xf32, #tpu.memory_space<vmem>>) target(%dma_start3A_241 : memref<256x64xf32, #tpu.memory_space<hbm>>) target_semaphore(%arg16 : memref<!tpu.dma_semaphore, #tpu.memory_space<semaphore_mem>>)
      %sub3A_242 = arith.constant 1 : i32
      %sub3A_243 = arith.subi %add3A_186, %sub3A_242 : i32
      %add3A_244 = arith.constant 4 : i32
      %add3A_245 = arith.addi %sub3A_243, %add3A_244 : i32
      %ge3A_246 = arith.constant 0 : i32
      %ge3A_247 = arith.cmpi sge, %sub3A_243, %ge3A_246 : i32
      %convert_element_type3A_248 = arith.extui %ge3A_247 : i1 to i32
      %cond3A_249 = arith.constant 0 : i32
      %cond3A_250 = arith.cmpi ne, %convert_element_type3A_248, %cond3A_249 : i32
      scf.if %cond3A_250 {
        %dma_wait3A_335 = arith.constant 0 : i32
        %dma_wait3A_336 = arith.constant 0 : i32
        %dma_wait3A_337 = arith.constant 0 : i32
        %dma_wait3A_338 = tpu.memref_slice %arg4[%dma_wait3A_335, %dma_wait3A_336, %dma_wait3A_337] : memref<50x16384x64xf32, #tpu.memory_space<hbm>> -> memref<1x256x64xf32, #tpu.memory_space<hbm>>
        %dma_wait3A_339 = tpu.memref_squeeze %dma_wait3A_338 : memref<1x256x64xf32, #tpu.memory_space<hbm>> -> memref<256x64xf32, #tpu.memory_space<hbm>>
        %dma_wait3A_340 = arith.constant 0 : i32
        %dma_wait3A_341 = arith.constant 0 : i32
        %dma_wait3A_342 = tpu.memref_slice %arg4[%dma_wait3A_335, %dma_wait3A_340, %dma_wait3A_341] : memref<50x16384x64xf32, #tpu.memory_space<hbm>> -> memref<1x256x64xf32, #tpu.memory_space<hbm>>
        %dma_wait3A_343 = tpu.memref_squeeze %dma_wait3A_342 : memref<1x256x64xf32, #tpu.memory_space<hbm>> -> memref<256x64xf32, #tpu.memory_space<hbm>>
        tpu.wait_dma2 semaphore(%arg15 : memref<!tpu.dma_semaphore, #tpu.memory_space<semaphore_mem>>) src(%arg7 : memref<256x64xf32, #tpu.memory_space<vmem>>) dst(%dma_wait3A_343 : memref<256x64xf32, #tpu.memory_space<hbm>>)
      } else {
      }
      %ge3A_251 = arith.constant 0 : i32
      %ge3A_252 = arith.cmpi sge, %sub3A_243, %ge3A_251 : i32
      %lt3A_253 = arith.constant 100 : i32
      %lt3A_254 = arith.cmpi slt, %add3A_245, %lt3A_253 : i32
      %and3A_255 = arith.andi %ge3A_252, %lt3A_254 : i1
      %convert_element_type3A_256 = arith.extui %and3A_255 : i1 to i32
      %cond3A_257 = arith.constant 0 : i32
      %cond3A_258 = arith.cmpi ne, %convert_element_type3A_256, %cond3A_257 : i32
      scf.if %cond3A_258 {
        %jit3A_335 = arith.constant 2 : i32
        %div3A_336 = arith.divsi %add3A_245, %jit3A_335 : i32
        %sign3A_337 = arith.constant 0 : i32
        %sign3A_338 = arith.cmpi sgt, %add3A_245, %sign3A_337 : i32
        %sign3A_339 = arith.extui %sign3A_338 : i1 to i32
        %sign3A_340 = arith.constant 0 : i32
        %sign3A_341 = arith.cmpi slt, %add3A_245, %sign3A_340 : i32
        %sign3A_342 = arith.extui %sign3A_341 : i1 to i32
        %sign3A_343 = arith.subi %sign3A_339, %sign3A_342 : i32
        %sign3A_344 = arith.constant 0 : i32
        %sign3A_345 = arith.cmpi sgt, %jit3A_335, %sign3A_344 : i32
        %sign3A_346 = arith.extui %sign3A_345 : i1 to i32
        %sign3A_347 = arith.constant 0 : i32
        %sign3A_348 = arith.cmpi slt, %jit3A_335, %sign3A_347 : i32
        %sign3A_349 = arith.extui %sign3A_348 : i1 to i32
        %sign3A_350 = arith.subi %sign3A_346, %sign3A_349 : i32
        %ne3A_351 = arith.cmpi ne, %sign3A_343, %sign3A_350 : i32
        %rem3A_352 = arith.remsi %add3A_245, %jit3A_335 : i32
        %ne3A_353 = arith.constant 0 : i32
        %ne3A_354 = arith.cmpi ne, %rem3A_352, %ne3A_353 : i32
        %and3A_355 = arith.andi %ne3A_351, %ne3A_354 : i1
        %sub3A_356 = arith.constant 1 : i32
        %sub3A_357 = arith.subi %div3A_336, %sub3A_356 : i32
        %select_n3A_358 = arith.select %and3A_355, %sub3A_357, %div3A_336 : i32
        %jit3A_359 = arith.constant 2 : i32
        %eq3A_360 = arith.constant 0 : i32
        %eq3A_361 = arith.cmpi eq, %jit3A_359, %eq3A_360 : i32
        %jit3A_362 = arith.constant 1 : i32
        %select_n3A_363 = arith.select %eq3A_361, %jit3A_362, %jit3A_359 : i32
        %rem3A_364 = arith.remsi %add3A_245, %select_n3A_363 : i32
        %ne3A_365 = arith.constant 0 : i32
        %ne3A_366 = arith.cmpi ne, %rem3A_364, %ne3A_365 : i32
        %lt3A_367 = arith.constant 0 : i32
        %lt3A_368 = arith.cmpi slt, %rem3A_364, %lt3A_367 : i32
        %lt3A_369 = arith.constant 0 : i32
        %lt3A_370 = arith.cmpi slt, %select_n3A_363, %lt3A_369 : i32
        %ne3A_371 = arith.xori %lt3A_368, %lt3A_370 : i1
        %and3A_372 = arith.andi %ne3A_371, %ne3A_366 : i1
        %add3A_373 = arith.addi %rem3A_364, %select_n3A_363 : i32
        %select_n3A_374 = arith.select %and3A_372, %add3A_373, %rem3A_364 : i32
        %mul3A_375 = arith.constant 256 : i32
        %mul3A_376 = arith.muli %select_n3A_374, %mul3A_375 : i32
        %dma_start3A_377 = tpu.memref_slice %arg5[%select_n3A_358, %mul3A_376] : memref<50x512xi32, #tpu.memory_space<vmem>> -> memref<1x256xi32, #tpu.memory_space<vmem>>
        %dma_start3A_378 = tpu.memref_squeeze %dma_start3A_377 : memref<1x256xi32, #tpu.memory_space<vmem>> -> memref<256xi32, #tpu.memory_space<vmem>>
        %dma_start3A_379 = arith.constant 0 : i32
        %dma_start3A_380 = arith.constant 0 : i32
        %dma_start3A_381 = tpu.memref_slice %arg3[%dma_start3A_379, %dma_start3A_380] : memref<1000000x64xf32, #tpu.memory_space<hbm>> -> memref<1000000x64xf32, #tpu.memory_space<hbm>>
        tpu.enqueue_indirect_dma source(%dma_start3A_381 : memref<1000000x64xf32, #tpu.memory_space<hbm>>) target(%arg7 : memref<256x64xf32, #tpu.memory_space<vmem>>) offsets(%dma_start3A_378 : memref<256xi32, #tpu.memory_space<vmem>>) semaphore(%arg11 : memref<!tpu.dma_semaphore, #tpu.memory_space<semaphore_mem>>)
      } else {
      }
      %mul3A_259 = arith.constant 4 : i32
      %mul3A_260 = arith.muli %scan3A_43, %mul3A_259 : i32
      %add3A_261 = arith.constant 3 : i32
      %add3A_262 = arith.addi %mul3A_260, %add3A_261 : i32
      %dma_wait3A_263 = arith.constant 0 : i32
      %dma_wait3A_264 = arith.constant 0 : i32
      %dma_wait3A_265 = tpu.memref_slice %arg3[%dma_wait3A_263, %dma_wait3A_264] : memref<1000000x64xf32, #tpu.memory_space<hbm>> -> memref<256x64xf32, #tpu.memory_space<hbm>>
      %dma_wait3A_266 = arith.constant 0 : i32
      %dma_wait3A_267 = arith.constant 0 : i32
      %dma_wait3A_268 = tpu.memref_slice %arg3[%dma_wait3A_266, %dma_wait3A_267] : memref<1000000x64xf32, #tpu.memory_space<hbm>> -> memref<256x64xf32, #tpu.memory_space<hbm>>
      tpu.wait_dma2 semaphore(%arg13 : memref<!tpu.dma_semaphore, #tpu.memory_space<semaphore_mem>>) src(%dma_wait3A_268 : memref<256x64xf32, #tpu.memory_space<hbm>>) dst(%arg9 : memref<256x64xf32, #tpu.memory_space<vmem>>)
      %jit3A_269 = arith.constant 2 : i32
      %div3A_270 = arith.divsi %add3A_262, %jit3A_269 : i32
      %sign3A_271 = arith.constant 0 : i32
      %sign3A_272 = arith.cmpi sgt, %add3A_262, %sign3A_271 : i32
      %sign3A_273 = arith.extui %sign3A_272 : i1 to i32
      %sign3A_274 = arith.constant 0 : i32
      %sign3A_275 = arith.cmpi slt, %add3A_262, %sign3A_274 : i32
      %sign3A_276 = arith.extui %sign3A_275 : i1 to i32
      %sign3A_277 = arith.subi %sign3A_273, %sign3A_276 : i32
      %sign3A_278 = arith.constant 0 : i32
      %sign3A_279 = arith.cmpi sgt, %jit3A_269, %sign3A_278 : i32
      %sign3A_280 = arith.extui %sign3A_279 : i1 to i32
      %sign3A_281 = arith.constant 0 : i32
      %sign3A_282 = arith.cmpi slt, %jit3A_269, %sign3A_281 : i32
      %sign3A_283 = arith.extui %sign3A_282 : i1 to i32
      %sign3A_284 = arith.subi %sign3A_280, %sign3A_283 : i32
      %ne3A_285 = arith.cmpi ne, %sign3A_277, %sign3A_284 : i32
      %rem3A_286 = arith.remsi %add3A_262, %jit3A_269 : i32
      %ne3A_287 = arith.constant 0 : i32
      %ne3A_288 = arith.cmpi ne, %rem3A_286, %ne3A_287 : i32
      %and3A_289 = arith.andi %ne3A_285, %ne3A_288 : i1
      %sub3A_290 = arith.constant 1 : i32
      %sub3A_291 = arith.subi %div3A_270, %sub3A_290 : i32
      %select_n3A_292 = arith.select %and3A_289, %sub3A_291, %div3A_270 : i32
      %jit3A_293 = arith.constant 2 : i32
      %eq3A_294 = arith.constant 0 : i32
      %eq3A_295 = arith.cmpi eq, %jit3A_293, %eq3A_294 : i32
      %jit3A_296 = arith.constant 1 : i32
      %select_n3A_297 = arith.select %eq3A_295, %jit3A_296, %jit3A_293 : i32
      %rem3A_298 = arith.remsi %add3A_262, %select_n3A_297 : i32
      %ne3A_299 = arith.constant 0 : i32
      %ne3A_300 = arith.cmpi ne, %rem3A_298, %ne3A_299 : i32
      %lt3A_301 = arith.constant 0 : i32
      %lt3A_302 = arith.cmpi slt, %rem3A_298, %lt3A_301 : i32
      %lt3A_303 = arith.constant 0 : i32
      %lt3A_304 = arith.cmpi slt, %select_n3A_297, %lt3A_303 : i32
      %ne3A_305 = arith.xori %lt3A_302, %lt3A_304 : i1
      %and3A_306 = arith.andi %ne3A_305, %ne3A_300 : i1
      %add3A_307 = arith.addi %rem3A_298, %select_n3A_297 : i32
      %select_n3A_308 = arith.select %and3A_306, %add3A_307, %rem3A_298 : i32
      %mul3A_309 = arith.constant 256 : i32
      %mul3A_310 = arith.muli %select_n3A_308, %mul3A_309 : i32
      %add3A_311 = arith.addi %mul3A_2, %mul3A_310 : i32
      %dma_start3A_312 = arith.constant 0 : i32
      %dma_start3A_313 = tpu.memref_slice %arg4[%select_n3A_292, %add3A_311, %dma_start3A_312] : memref<50x16384x64xf32, #tpu.memory_space<hbm>> -> memref<1x256x64xf32, #tpu.memory_space<hbm>>
      %dma_start3A_314 = tpu.memref_squeeze %dma_start3A_313 : memref<1x256x64xf32, #tpu.memory_space<hbm>> -> memref<256x64xf32, #tpu.memory_space<hbm>>
      %dma_start3A_315 = arith.constant 0 : i32
      %dma_start3A_316 = tpu.memref_slice %arg4[%select_n3A_292, %add3A_311, %dma_start3A_315] : memref<50x16384x64xf32, #tpu.memory_space<hbm>> -> memref<1x256x64xf32, #tpu.memory_space<hbm>>
      %dma_start3A_317 = tpu.memref_squeeze %dma_start3A_316 : memref<1x256x64xf32, #tpu.memory_space<hbm>> -> memref<256x64xf32, #tpu.memory_space<hbm>>
      tpu.enqueue_dma source(%arg9 : memref<256x64xf32, #tpu.memory_space<vmem>>) target(%dma_start3A_317 : memref<256x64xf32, #tpu.memory_space<hbm>>) target_semaphore(%arg17 : memref<!tpu.dma_semaphore, #tpu.memory_space<semaphore_mem>>)
      %sub3A_318 = arith.constant 1 : i32
      %sub3A_319 = arith.subi %add3A_262, %sub3A_318 : i32
      %add3A_320 = arith.constant 4 : i32
      %add3A_321 = arith.addi %sub3A_319, %add3A_320 : i32
      %ge3A_322 = arith.constant 0 : i32
      %ge3A_323 = arith.cmpi sge, %sub3A_319, %ge3A_322 : i32
      %convert_element_type3A_324 = arith.extui %ge3A_323 : i1 to i32
      %cond3A_325 = arith.constant 0 : i32
      %cond3A_326 = arith.cmpi ne, %convert_element_type3A_324, %cond3A_325 : i32
      scf.if %cond3A_326 {
        %dma_wait3A_335 = arith.constant 0 : i32
        %dma_wait3A_336 = arith.constant 0 : i32
        %dma_wait3A_337 = arith.constant 0 : i32
        %dma_wait3A_338 = tpu.memref_slice %arg4[%dma_wait3A_335, %dma_wait3A_336, %dma_wait3A_337] : memref<50x16384x64xf32, #tpu.memory_space<hbm>> -> memref<1x256x64xf32, #tpu.memory_space<hbm>>
        %dma_wait3A_339 = tpu.memref_squeeze %dma_wait3A_338 : memref<1x256x64xf32, #tpu.memory_space<hbm>> -> memref<256x64xf32, #tpu.memory_space<hbm>>
        %dma_wait3A_340 = arith.constant 0 : i32
        %dma_wait3A_341 = arith.constant 0 : i32
        %dma_wait3A_342 = tpu.memref_slice %arg4[%dma_wait3A_335, %dma_wait3A_340, %dma_wait3A_341] : memref<50x16384x64xf32, #tpu.memory_space<hbm>> -> memref<1x256x64xf32, #tpu.memory_space<hbm>>
        %dma_wait3A_343 = tpu.memref_squeeze %dma_wait3A_342 : memref<1x256x64xf32, #tpu.memory_space<hbm>> -> memref<256x64xf32, #tpu.memory_space<hbm>>
        tpu.wait_dma2 semaphore(%arg16 : memref<!tpu.dma_semaphore, #tpu.memory_space<semaphore_mem>>) src(%arg8 : memref<256x64xf32, #tpu.memory_space<vmem>>) dst(%dma_wait3A_343 : memref<256x64xf32, #tpu.memory_space<hbm>>)
      } else {
      }
      %ge3A_327 = arith.constant 0 : i32
      %ge3A_328 = arith.cmpi sge, %sub3A_319, %ge3A_327 : i32
      %lt3A_329 = arith.constant 100 : i32
      %lt3A_330 = arith.cmpi slt, %add3A_321, %lt3A_329 : i32
      %and3A_331 = arith.andi %ge3A_328, %lt3A_330 : i1
      %convert_element_type3A_332 = arith.extui %and3A_331 : i1 to i32
      %cond3A_333 = arith.constant 0 : i32
      %cond3A_334 = arith.cmpi ne, %convert_element_type3A_332, %cond3A_333 : i32
      scf.if %cond3A_334 {
        %jit3A_335 = arith.constant 2 : i32
        %div3A_336 = arith.divsi %add3A_321, %jit3A_335 : i32
        %sign3A_337 = arith.constant 0 : i32
        %sign3A_338 = arith.cmpi sgt, %add3A_321, %sign3A_337 : i32
        %sign3A_339 = arith.extui %sign3A_338 : i1 to i32
        %sign3A_340 = arith.constant 0 : i32
        %sign3A_341 = arith.cmpi slt, %add3A_321, %sign3A_340 : i32
        %sign3A_342 = arith.extui %sign3A_341 : i1 to i32
        %sign3A_343 = arith.subi %sign3A_339, %sign3A_342 : i32
        %sign3A_344 = arith.constant 0 : i32
        %sign3A_345 = arith.cmpi sgt, %jit3A_335, %sign3A_344 : i32
        %sign3A_346 = arith.extui %sign3A_345 : i1 to i32
        %sign3A_347 = arith.constant 0 : i32
        %sign3A_348 = arith.cmpi slt, %jit3A_335, %sign3A_347 : i32
        %sign3A_349 = arith.extui %sign3A_348 : i1 to i32
        %sign3A_350 = arith.subi %sign3A_346, %sign3A_349 : i32
        %ne3A_351 = arith.cmpi ne, %sign3A_343, %sign3A_350 : i32
        %rem3A_352 = arith.remsi %add3A_321, %jit3A_335 : i32
        %ne3A_353 = arith.constant 0 : i32
        %ne3A_354 = arith.cmpi ne, %rem3A_352, %ne3A_353 : i32
        %and3A_355 = arith.andi %ne3A_351, %ne3A_354 : i1
        %sub3A_356 = arith.constant 1 : i32
        %sub3A_357 = arith.subi %div3A_336, %sub3A_356 : i32
        %select_n3A_358 = arith.select %and3A_355, %sub3A_357, %div3A_336 : i32
        %jit3A_359 = arith.constant 2 : i32
        %eq3A_360 = arith.constant 0 : i32
        %eq3A_361 = arith.cmpi eq, %jit3A_359, %eq3A_360 : i32
        %jit3A_362 = arith.constant 1 : i32
        %select_n3A_363 = arith.select %eq3A_361, %jit3A_362, %jit3A_359 : i32
        %rem3A_364 = arith.remsi %add3A_321, %select_n3A_363 : i32
        %ne3A_365 = arith.constant 0 : i32
        %ne3A_366 = arith.cmpi ne, %rem3A_364, %ne3A_365 : i32
        %lt3A_367 = arith.constant 0 : i32
        %lt3A_368 = arith.cmpi slt, %rem3A_364, %lt3A_367 : i32
        %lt3A_369 = arith.constant 0 : i32
        %lt3A_370 = arith.cmpi slt, %select_n3A_363, %lt3A_369 : i32
        %ne3A_371 = arith.xori %lt3A_368, %lt3A_370 : i1
        %and3A_372 = arith.andi %ne3A_371, %ne3A_366 : i1
        %add3A_373 = arith.addi %rem3A_364, %select_n3A_363 : i32
        %select_n3A_374 = arith.select %and3A_372, %add3A_373, %rem3A_364 : i32
        %mul3A_375 = arith.constant 256 : i32
        %mul3A_376 = arith.muli %select_n3A_374, %mul3A_375 : i32
        %dma_start3A_377 = tpu.memref_slice %arg5[%select_n3A_358, %mul3A_376] : memref<50x512xi32, #tpu.memory_space<vmem>> -> memref<1x256xi32, #tpu.memory_space<vmem>>
        %dma_start3A_378 = tpu.memref_squeeze %dma_start3A_377 : memref<1x256xi32, #tpu.memory_space<vmem>> -> memref<256xi32, #tpu.memory_space<vmem>>
        %dma_start3A_379 = arith.constant 0 : i32
        %dma_start3A_380 = arith.constant 0 : i32
        %dma_start3A_381 = tpu.memref_slice %arg3[%dma_start3A_379, %dma_start3A_380] : memref<1000000x64xf32, #tpu.memory_space<hbm>> -> memref<1000000x64xf32, #tpu.memory_space<hbm>>
        tpu.enqueue_indirect_dma source(%dma_start3A_381 : memref<1000000x64xf32, #tpu.memory_space<hbm>>) target(%arg8 : memref<256x64xf32, #tpu.memory_space<vmem>>) offsets(%dma_start3A_378 : memref<256xi32, #tpu.memory_space<vmem>>) semaphore(%arg12 : memref<!tpu.dma_semaphore, #tpu.memory_space<semaphore_mem>>)
      } else {
      }
    }
    %scan3A_34 = arith.constant 25 : i32
    %dma_wait3A = arith.constant 0 : i32
    %dma_wait3A_35 = arith.constant 0 : i32
    %dma_wait3A_36 = arith.constant 0 : i32
    %dma_wait3A_37 = tpu.memref_slice %arg4[%dma_wait3A, %dma_wait3A_35, %dma_wait3A_36] : memref<50x16384x64xf32, #tpu.memory_space<hbm>> -> memref<1x256x64xf32, #tpu.memory_space<hbm>>
    %dma_wait3A_38 = tpu.memref_squeeze %dma_wait3A_37 : memref<1x256x64xf32, #tpu.memory_space<hbm>> -> memref<256x64xf32, #tpu.memory_space<hbm>>
    %dma_wait3A_39 = arith.constant 0 : i32
    %dma_wait3A_40 = arith.constant 0 : i32
    %dma_wait3A_41 = tpu.memref_slice %arg4[%dma_wait3A, %dma_wait3A_39, %dma_wait3A_40] : memref<50x16384x64xf32, #tpu.memory_space<hbm>> -> memref<1x256x64xf32, #tpu.memory_space<hbm>>
    %dma_wait3A_42 = tpu.memref_squeeze %dma_wait3A_41 : memref<1x256x64xf32, #tpu.memory_space<hbm>> -> memref<256x64xf32, #tpu.memory_space<hbm>>
    tpu.wait_dma2 semaphore(%arg17 : memref<!tpu.dma_semaphore, #tpu.memory_space<semaphore_mem>>) src(%arg9 : memref<256x64xf32, #tpu.memory_space<vmem>>) dst(%dma_wait3A_42 : memref<256x64xf32, #tpu.memory_space<hbm>>)
    return
  }
}

</mosaic_0001>

<sc_bundles>
// kernel: kernel.3.cloned.1.call-start
scs
__scs_entry_jumppad:
0x0: {  	(pc) =	sbr.rel $0x88, $3  }
0x1: {  	(tag) =	ssettag $0x0;
	lr =	simm.s32 $0x1  }
0x2: {  	[smem:$0x3F9F] =	sst lr;
	_ =	strace $0xD0000000  }
0x3: {  	_ = 	snop  }
0x4: {  	_ = 	snop  }
0x5: {  	_ = 	snop  }
0x6: {  	_ = 	snop  }
0x7: {  	_ = 	snop  }
__scs_overlays_trampoline_lowered:
0x8: {  	[smem:$0x3FAE] =	sst s0  }
0x9: {  	[smem:$0x3FAF] =	sst s1  }
0xa: {  	[smem:$0x3FB0] =	sst s2  }
0xb: {  	[smem:$0x3FB1] =	sst s3  }
0xc: {  	[smem:$0x3FB2] =	sst s4  }
0xd: {  	[smem:$0x3FB3] =	sst s5  }
0xe: {  	[smem:$0x3FB4] =	sst s6  }
0xf: {  	[smem:$0x3FB5] =	sst s7  }
0x10: {  	[smem:$0x3FB6] =	sst s8  }
0x11: {  	[smem:$0x3FB7] =	sst s9;
	s0 =	simm.s32 @!p0 $0x0  }
0x12: {  	s1 =	sld [smem:$0x3F9D];
	s0 =	simm.s32 @p0 $0x1  }
0x13: {  	[smem:$0x3FB8] =	sst s0;
	s0 =	simm.s32 @!p1 $0x0  }
0x14: {  	s2 =	sld [smem:$0x3F9C];
	s0 =	simm.s32 @p1 $0x1  }
0x15: {  	[smem:$0x3FB9] =	sst s0;
	s0 =	simm.s32 @!p2 $0x0  }
0x16: {  	s3 =	sld [smem:$0x3FDB];
	s0 =	simm.s32 @p2 $0x1  }
0x17: {  	s4 =	simm.s32 $0x1BF5;
	[smem:$0x3FBB] =	sst s0  }
0x18: {  	s0 =	sld [smem:$0x3F9E];
	_ =	swait.ge [sflag:s4], $0x0  }
0x19: {  	s7 =	sld [smem:$0x3F9F]  }
0x1a: {  	s8 =	sadd.s32 $0xFFFFE003, lr  }
0x1b: {  	s9 =	sadd.s32 $0xFFFFFEF7, lr;
	s5 =	simm.s32 $0xFFFFFFFF;
	p2 =	slt.u32 s8, $0xFFFFF086  }
0x1c: {  	p1 =	slt.u32 s9, $0xF7A;
	s5 =	simm.s32 @!p2 $0x0  }
0x1d: {  	s5 =	simm.s32 @p1 $0x1;
	p0 =	seq.s32 s7, s2  }
0x1e: {  	s7 =	smul.u32 @!p0 $0xF7A, s2;
	p2 =	seq.s32 @!p0 s5, $0x0  }
0x1f: {  	s9 =	smul.u32 $0xF7A, s1;
	s8 =	simm.s32 @!p0 $0x1BF5;
	p2 =	por !p2, p0  }
0x20: {  	[sflag:s8] =	ssyncset.s32 @!p0 $0xFFFFF086;
	s6 =	sadd.s32 @!p0 s3, s7;
	s7 =	simm.s32 @!p0 $0x108  }
0x21: {  	s3 =	sadd.s32 s3, s9;
	s6 =	sadd.s32 @!p0 $0x88, s6;
	s7 =	simm.s32 @p2 $0x1082  }
0x22: {  	[simem:s7], [sflag:s8] =	dma.local @!p0 [hbm:s6], $0xF7A  }
0x23: {  	s9 =	sor.u32 $0xD0000000, s2;
	s6 =	simm.s32 $0x108;
	_ =	swait.ge @!p0 [sflag:s8], $0x0  }
0x24: {  	s3 =	sadd.s32 $0x88, s3;
	s6 =	simm.s32 @!p1 $0x1082;
	[sflag:s4] =	ssyncset.s32 $0xFFFFF086  }
0x25: {  	[simem:s6], [sflag:s4] =	dma.local [hbm:s3], $0xF7A  }
0x26: {  	[smem:$0x3F9F] =	sst s1;
	(tag) =	ssettag s2;
	_ =	strace s9  }
0x27: {  	s1 =	sld [smem:$0x3FAF]  }
0x28: {  	s2 =	sld [smem:$0x3FB0]  }
0x29: {  	s4 =	sld [smem:$0x3FB2]  }
0x2a: {  	p0 =	seq.s32 s5, $0x0;
	s5 =	sld [smem:$0x3FB3]  }
0x2b: {  	s6 =	sld [smem:$0x3FB4]  }
0x2c: {  	s7 =	sld [smem:$0x3FB5]  }
0x2d: {  	s3 =	simm.s32 $0x108;
	s8 =	sld [smem:$0x3FB6]  }
0x2e: {  	s3 =	simm.s32 @!p0 $0x1082;
	s9 =	sld [smem:$0x3FB7]  }
0x2f: {  	lr =	sadd.s32 s0, s3;
	s0 =	sld [smem:$0x3FAE]  }
0x30: {  	s3 =	sld [smem:$0x3FB1]  }
0x31: {  	[smem:$0x3FBA] =	sst s10  }
0x32: {  	s10 =	sld [smem:$0x3FB8];
	_ =	sdelay $0x3  }
0x33: {  	p0 =	seq.s32 s10, $0x1;
	s10 =	sld [smem:$0x3FBA];
	_ =	sdelay $0x3  }
0x34: {  	[smem:$0x3FBA] =	sst s10  }
0x35: {  	s10 =	sld [smem:$0x3FB9];
	_ =	sdelay $0x3  }
0x36: {  	p1 =	seq.s32 s10, $0x1;
	s10 =	sld [smem:$0x3FBA];
	_ =	sdelay $0x3  }
0x37: {  	[smem:$0x3FBA] =	sst s10  }
0x38: {  	s10 =	sld [smem:$0x3FBB]  }
0x39: {  	_ = 	snop;
	(pc) =	sbr.ind lr, $3  }
0x3a: {  	_ = 	snop  }
0x3b: {  	_ = 	snop  }
0x3c: {  	p2 =	seq.s32 s10, $0x1;
	s10 =	sld [smem:$0x3FBA]  }
0x3d: {  	_ =	shalt  }
0x3e: {  	_ =	shalt  }
0x3f: {  	_ =	shalt  }
0x40: {  	_ =	shalt  }
0x41: {  	_ =	shalt  }
0x42: {  	_ =	shalt  }
0x43: {  	_ =	shalt  }
0x44: {  	_ =	shalt  }
0x45: {  	_ =	shalt  }
0x46: {  	_ =	shalt  }
0x47: {  	_ =	shalt  }
0x48: {  	_ =	shalt  }
0x49: {  	_ =	shalt  }
0x4a: {  	_ =	shalt  }
0x4b: {  	_ =	shalt  }
0x4c: {  	_ =	shalt  }
0x4d: {  	_ =	shalt  }
0x4e: {  	_ =	shalt  }
0x4f: {  	_ =	shalt  }
0x50: {  	_ =	shalt  }
0x51: {  	_ =	shalt  }
0x52: {  	_ =	shalt  }
0x53: {  	_ =	shalt  }
0x54: {  	_ =	shalt  }
0x55: {  	_ =	shalt  }
0x56: {  	_ =	shalt  }
0x57: {  	_ =	shalt  }
0x58: {  	_ =	shalt  }
0x59: {  	_ =	shalt  }
0x5a: {  	_ =	shalt  }
0x5b: {  	_ =	shalt  }
0x5c: {  	_ =	shalt  }
0x5d: {  	_ =	shalt  }
0x5e: {  	_ =	shalt  }
0x5f: {  	_ =	shalt  }
0x60: {  	_ =	shalt  }
0x61: {  	_ =	shalt  }
0x62: {  	_ =	shalt  }
0x63: {  	_ =	shalt  }
0x64: {  	_ =	shalt  }
0x65: {  	_ =	shalt  }
0x66: {  	_ =	shalt  }
0x67: {  	_ =	shalt  }
0x68: {  	_ =	shalt  }
0x69: {  	_ =	shalt  }
0x6a: {  	_ =	shalt  }
0x6b: {  	_ =	shalt  }
0x6c: {  	_ =	shalt  }
0x6d: {  	_ =	shalt  }
0x6e: {  	_ =	shalt  }
0x6f: {  	_ =	shalt  }
0x70: {  	_ =	shalt  }
0x71: {  	_ =	shalt  }
0x72: {  	_ =	shalt  }
0x73: {  	_ =	shalt  }
0x74: {  	_ =	shalt  }
0x75: {  	_ =	shalt  }
0x76: {  	_ =	shalt  }
0x77: {  	_ =	shalt  }
0x78: {  	_ =	shalt  }
0x79: {  	_ =	shalt  }
0x7a: {  	_ =	shalt  }
0x7b: {  	_ =	shalt  }
0x7c: {  	_ =	shalt  }
0x7d: {  	_ =	shalt  }
0x7e: {  	_ =	shalt  }
0x7f: {  	_ =	shalt  }
0x80: {  	_ =	shalt  }
0x81: {  	_ =	shalt  }
0x82: {  	_ =	shalt  }
0x83: {  	_ =	shalt  }
0x84: {  	_ =	shalt  }
0x85: {  	_ =	shalt  }
0x86: {  	_ =	shalt  }
0x87: {  	_ =	shalt  }
.Lfunc_end0:
.L_simem_size_0:
called_computation.1_lowered:
.L_overlay_start_0:
0x88: {  	s2 =	sld [smem:$0x3FD9]  }
0x89: {  	s3 =	sld [smem:$0x3FFE];
	_ =	sdelay $0x1  }
0x8a: {  	s1 =	srdreg.scid  }
0x8b: {  	s0 =	sand.u32 $0x1, s1  }
0x8c: {  	s17 =	sshll.u32 s0, $0xA;
	s2 =	sadd.s32 s3, s2  }
0x8d: {  	s2 =	sadd.s32 s2, s17  }
0x8e: {  	[smem:$0x3FC6] =	sst s2  }
0x8f: {  	_ = 	snop  }
0x90: {  	s2 =	sld [smem:$0x3FD0];
	(tm) =	ssettm $0x1  }
0x91: {  	s18 =	sld [smem:$0x3FFB];
	_ =	sdelay $0x3  }
0x92: {  	_ =	strace s18  }
0x93: {  	s3 =	sld [smem:$0x3FFC];
	_ =	sdelay $0x3  }
0x94: {  	_ =	strace s3  }
0x95: {  	s3 =	sld [smem:$0x3FFD];
	_ =	sdelay $0x3  }
0x96: {  	_ =	strace s3  }
0x97: {  	_ =	strace $0x8FFFFFFF  }
0x98: {  	s19 =	sld [smem:$0x3FDB];
	_ =	sdelay $0x1  }
0x99: {  	s4 =	simm.s32 $_scs_section_size  }
0x9a: {  	s5 =	simm.s32 $_size__tile_overlayer_lowered;
	s6 =	simm.s32 $_tile_overlayer_lowered  }
0x9b: {  	s22 =	simm.s32 $0x1BFF;
	s21 =	sshll.u32 s6, $0x1;
	s3 =	sadd.s32 s4, s19  }
0x9c: {  	s7 =	simm.s32 $0x0;
	s20 =	sshll.u32 s5, $0x1;
	s5 =	sadd.s32 s21, s3  }
0x9d: {  	[timem:s7], [sflag:s22] =	dma.local [hbm:s5], s20  }
0x9e: {  	_ =	swait.ge [sflag:s22], s20  }
0x9f: {  	s4 =	ssub.s32 $0x0, s20;
	[sflag:s22] =	ssyncset.done $0x0  }
0xa0: {  	[sflag:s22] =	ssyncadd.s32 s4;
	_ =	sdelay $0x1  }
0xa1: {  	s23 =	simm.s32 $0x1B8B  }
0xa2: {  	_ =	swait.ge [sflag:s23], $0x1  }
0xa3: {  	[sflag:s23] =	ssyncset.done $0x0  }
0xa4: {  	s25 =	simm.s32 $0x1B8E;
	s24 =	sld [smem:$0x3FFE];
	[sflag:s23] =	ssyncadd.s32 $0xFFFFFFFF  }
0xa5: {  	s26 =	simm.s32 $execute0_lowered;
	[smem:$0x3FD2] =	sst s25  }
0xa6: {  	s5 =	sshll.u32 s26, $0x1;
	_ =	strace $0x80000046;
	[dreg:$0x1] =	wrdreg $0xFFFFFFFF  }
0xa7: {  	s28 =	simm.s32 $_size_execute0_lowered;
	s3 =	sadd.s32 s3, s5;
	[dreg:$0x0] =	wrdreg $0x0  }
0xa8: {  	s5 =	sshll.u32 s28, $0x1;
	[dreg:$0x2] =	wrdreg s3  }
0xa9: {  	[dreg:$0x3] =	wrdreg s5  }
0xaa: {  	[dreg:$0x4] =	wrdreg $0xC0  }
0xab: {  	_ =	task [dreg:s7], $0x5FFFF  }
0xac: {  	[dreg:$0x1] =	wrdreg $0xFFFFFFFF  }
0xad: {  	[dreg:$0x0] =	wrdreg $0x60  }
0xae: {  	[dreg:$0x2] =	wrdreg s24  }
0xaf: {  	[dreg:$0x3] =	wrdreg s2  }
0xb0: {  	[dreg:$0x4] =	wrdreg $0x9  }
0xb1: {  	_ =	task.clear_ibuf [dreg:s7], $0x5FFFF;
	_ =	strace $0x90000046  }
0xb2: {  	s29 =	simm.s32 $0x9;
	_ =	strace $0x80000048  }
0xb3: {  	_ =	swait.ge [sflag:s29], $0x1  }
0xb4: {  	[sflag:s29] =	ssyncadd.s32 $0xFFFFFFFF  }
0xb5: {  	_ =	strace $0x90000048  }
0xb6: {  	_ =	sfence  }
0xb7: {  	s30 =	sld [smem:$0x0];
	_ =	sdelay $0x2  }
0xb8: {  	s31 =	sshll.u32 s1, $0xD;
	s1 =	sshrl.u32 s1, $0x2  }
0xb9: {  	s3 =	sand.u32 $0x4000, s31;
	s1 =	sadd.s32 s1, s30  }
0xba: {  	s0 =	sor.u32 s3, s0;
	s1 =	sshll.u32 s1, $0x11  }
0xbb: {  	s0 =	sor.u32 s1, s0  }
0xbc: {  	s0 =	sadd.s32 $0x8F2B, s0  }
0xbd: {  	[sflag:s0] =	ssyncadd.remote.s32 $0x1  }
0xbe: {  	_ =	sfence.sel $0xFFFF  }
0xbf: {  	[dreg:$0x0] =	wrdreg $0xFFFFFFFF;
	(pc) =	sbr.abs _section_cstart, $3  }
0xc0: {  	[dreg:$0x1] =	wrdreg $0xFFFFFFFF  }
0xc1: {  	_ =	task.clear_ibuf [dreg:s7], $0x2FFFF;
	_ =	strace $0x9FFFFFFF  }
0xc2: {  	(tm) =	ssettm $0x7FFFFFFF  }
0xc3: {  	_ =	shalt  }
tec
execute0_lowered:
.L_overlay_start_1:
0x0: {  	(tag) =	ssettag $0x1  }
0x1: {  	s0 =	rddreg [dreg:$0x0]  }
0x2: {  	s1 =	rddreg [dreg:$0x1]  }
0x3: {  	s2 =	srdreg.scid;
	s9 =	stileid.u32;
	s11 =	simm.s32 $0x200  }
0x4: {  	s13 =	simm.s32 $0x9;
	s14 =	simm.s32 $0x100;
	s15 =	simm.s32 $0x6400  }
0x5: {  	s16 =	simm.s32 $0xA400;
	s17 =	simm.s32 $0xE400;
	s19 =	simm.s32 $0x12400  }
0x6: {  	s20 =	simm.s32 $0x1;
	s21 =	simm.s32 $0x2;
	s28 =	simm.s32 $0x4  }
0x7: {  	s29 =	simm.s32 $0x7;
	s31 =	simm.s32 $0x8;
	s6 =	sand.u32 $0x1, s2  }
0x8: {  	s2 =	simm.s32 $0x0;
	s3 =	sshll.u32 s9, $0xA;
	s25 =	sshll.u32 s9, $0xD  }
0x9: {  	s4 =	sshll.u32 s6, $0x9;
	[smem:$0x7FF] =	sst s2;
	s22 =	ssub.s32 $0x2, s6  }
0xa: {  	s26 =	sshll.u32 s6, $0xC;
	s5 =	sor.u32 s4, s3;
	s7 =	sshrl.u32 s22, $0x1  }
0xb: {  	_ =	strace $0x80000047;
	s3 =	sshrl.u32 s5, $0x3;
	s23 =	ssub.s32 s22, s7  }
0xc: {  	s5 =	sshll.u32 s5, $0x3;
	s22 =	simm.s32 $0x5;
	s8 =	sadd.s32 s3, s0  }
.Ltmp0:
0xd: {  	s3 =	sadd.s32 $0xF42E00, s0;
	s5 =	sadd.s32 s1, s5;
	(pc) =	sbr.rel .LBB2_1-.Ltmp0, $4  }
0xe: {  	s1 =	sadd.s32 s25, s1;
	s7 =	smax.u32 s23, $0x1;
	s25 =	simm.s32 $0x6  }
0xf: {  	s0 =	simm.s32 $0x0;
	s24 =	sadd.s32 $0xA00, s8;
	s6 =	sadd.s32 $0x800, s5  }
0x10: {  	s30 =	sadd.s32 s26, s1;
	s8 =	sadd.s32 $0x20000, s5;
	s9 =	sadd.s32 $0x20800, s5  }
0x11: {  	[dreg:$0x3] =	wrdreg s24;
	s1 =	sadd.s32 $0x40000, s30;
	s24 =	simm.s32 $0x3  }
.LBB2_4:
0x12: {  	s0 =	sadd.s32 $0x1, s0  }
0x13: {  	p0 =	sne.s32 s0, s7  }
.Ltmp1:
0x14: {  	_ = 	snop;
	(pc) =	sbr.rel @!p0 .LBB2_5-.Ltmp1, $4  }
0x15: {  	_ = 	snop  }
0x16: {  	_ =	swait.ge [sflag:s31], $0x4000  }
0x17: {  	[sflag:s31] =	ssyncset.done $0x0  }
0x18: {  	[sflag:s31] =	ssyncadd.s32 $0xFFFFC000  }
.LBB2_1:
0x19: {  	s4 =	rddreg [dreg:$0x3];
	s10 =	simm.s32 $0x4000  }
0x1a: {  	[tilespmem:s2], [sflag:$0x9] =	stream.strided.gather [hbm4b:s4+s11], $0x6400, s10, s11, $0x38;
	[tilespmem:$0x16400] =	vst v63  }
0x1b: {  	_ =	swait.ge [sflag:s13], $0x6400  }
0x1c: {  	[sflag:s13] =	ssyncset.done $0x0  }
0x1d: {  	[sflag:s13] =	ssyncadd.s32 $0xFFFF9C00  }
0x1e: {  	[tilespmem:s15], [sflag:$0x1] =	stream.indirect.gather [hbm4b:s3+s14], $0x40, s2, s14, $0xb8;
	[tilespmem:$0x16400] =	vst v63  }
0x1f: {  	_ = 	snop  }
0x20: {  	[tilespmem:s16], [sflag:$0x2] =	stream.indirect.gather [hbm4b:s3+s14], $0x40, s14, s14, $0xb8;
	[tilespmem:$0x16400] =	vst v63  }
0x21: {  	_ = 	snop  }
0x22: {  	[tilespmem:s17], [sflag:$0x3] =	stream.indirect.gather [hbm4b:s3+s14], $0x40, s11, s14, $0xb8;
	[tilespmem:$0x16400] =	vst v63  }
0x23: {  	s18 =	simm.s32 $0x300  }
0x24: {  	[tilespmem:s19], [sflag:$0x4] =	stream.indirect.gather [hbm4b:s3+s14], $0x40, s18, s14, $0xb8;
	[tilespmem:$0x16400] =	vst v63  }
0x25: {  	_ =	swait.ge [sflag:s20], $0x4000  }
0x26: {  	[sflag:s20] =	ssyncset.done $0x0  }
0x27: {  	[sflag:s20] =	ssyncadd.s32 $0xFFFFC000  }
0x28: {  	[hbm4b:s5+s2] =	stream.linear.scatter [tilespmem:s15], [sflag:$0x5], $0x4000, $0x38;
	[tilespmem:$0x16400] =	vst v63  }
0x29: {  	_ =	swait.ge [sflag:s21], $0x4000  }
0x2a: {  	[sflag:s21] =	ssyncset.done $0x0  }
0x2b: {  	[sflag:s21] =	ssyncadd.s32 $0xFFFFC000  }
0x2c: {  	[hbm4b:s6+s2] =	stream.linear.scatter [tilespmem:s16], [sflag:$0x6], $0x4000, $0x38;
	[tilespmem:$0x16400] =	vst v63  }
0x2d: {  	_ =	swait.ge [sflag:s22], $0x4000  }
0x2e: {  	[sflag:s22] =	ssyncset.done $0x0  }
0x2f: {  	s23 =	simm.s32 $0x400;
	[sflag:s22] =	ssyncadd.s32 $0xFFFFC000  }
0x30: {  	[tilespmem:s15], [sflag:$0x1] =	stream.indirect.gather [hbm4b:s3+s14], $0x40, s23, s14, $0xb8;
	[tilespmem:$0x16400] =	vst v63  }
0x31: {  	_ =	swait.ge [sflag:s24], $0x4000  }
0x32: {  	[sflag:s24] =	ssyncset.done $0x0  }
0x33: {  	[sflag:s24] =	ssyncadd.s32 $0xFFFFC000  }
0x34: {  	[hbm4b:s8+s2] =	stream.linear.scatter [tilespmem:s17], [sflag:$0x7], $0x4000, $0x38;
	[tilespmem:$0x16400] =	vst v63  }
0x35: {  	_ =	swait.ge [sflag:s25], $0x4000  }
0x36: {  	[sflag:s25] =	ssyncset.done $0x0  }
0x37: {  	s26 =	simm.s32 $0x500;
	[sflag:s25] =	ssyncadd.s32 $0xFFFFC000  }
0x38: {  	[tilespmem:s16], [sflag:$0x2] =	stream.indirect.gather [hbm4b:s3+s14], $0x40, s26, s14, $0xb8;
	[tilespmem:$0x16400] =	vst v63  }
0x39: {  	_ =	swait.ge [sflag:s28], $0x4000  }
0x3a: {  	[sflag:s28] =	ssyncset.done $0x0  }
0x3b: {  	[sflag:s28] =	ssyncadd.s32 $0xFFFFC000  }
0x3c: {  	[hbm4b:s9+s2] =	stream.linear.scatter [tilespmem:s19], [sflag:$0x8], $0x4000, $0x38;
	[tilespmem:$0x16400] =	vst v63  }
0x3d: {  	_ =	swait.ge [sflag:s29], $0x4000  }
0x3e: {  	s30 =	simm.s32 $0x600;
	[sflag:s29] =	ssyncset.done $0x0  }
0x3f: {  	s12 =	simm.s32 $0x0;
	s10 =	smov.u32 s1;
	[sflag:s29] =	ssyncadd.s32 $0xFFFFC000  }
0x40: {  	[tilespmem:s17], [sflag:$0x3] =	stream.indirect.gather [hbm4b:s3+s14], $0x40, s30, s14, $0xb8;
	[tilespmem:$0x16400] =	vst v63  }
.LBB2_2:
0x41: {  	_ =	swait.ge [sflag:s20], $0x4000  }
0x42: {  	[sflag:s20] =	ssyncset.done $0x0  }
0x43: {  	[sflag:s20] =	ssyncadd.s32 $0xFFFFC000  }
0x44: {  	[hbm4b:s10+s2] =	stream.linear.scatter [tilespmem:s15], [sflag:$0x5], $0x4000, $0x38;
	[tilespmem:$0x16400] =	vst v63  }
0x45: {  	_ =	swait.ge [sflag:s31], $0x4000  }
0x46: {  	s18 =	sshra.s32 s12, $0x2;
	[sflag:s31] =	ssyncset.done $0x0  }
0x47: {  	s23 =	sadd.s32 $0x700, s18;
	[sflag:s31] =	ssyncadd.s32 $0xFFFFC000  }
0x48: {  	[tilespmem:s19], [sflag:$0x4] =	stream.indirect.gather [hbm4b:s3+s14], $0x40, s23, s14, $0xb8;
	[tilespmem:$0x16400] =	vst v63  }
0x49: {  	_ =	swait.ge [sflag:s21], $0x4000  }
0x4a: {  	[sflag:s21] =	ssyncset.done $0x0  }
0x4b: {  	s4 =	sadd.s32 $0x800, s10;
	[sflag:s21] =	ssyncadd.s32 $0xFFFFC000  }
0x4c: {  	[hbm4b:s4+s2] =	stream.linear.scatter [tilespmem:s16], [sflag:$0x6], $0x4000, $0x38;
	[tilespmem:$0x16400] =	vst v63  }
0x4d: {  	p0 =	seq.s32 s12, $0x17000;
	_ =	swait.ge [sflag:s22], $0x4000  }
0x4e: {  	s30 =	simm.s32 @!p0 $0x100;
	s23 =	sshra.s32 @!p0 s12, $0x2;
	[sflag:s22] =	ssyncset.done $0x0  }
0x4f: {  	s26 =	sadd.s32 @!p0 $0x800, s23;
	s4 =	simm.s32 @!p0 $0x6400;
	[sflag:s22] =	ssyncadd.s32 $0xFFFFC000  }
0x50: {  	[tilespmem:s4], [sflag:$0x1] =	stream.indirect.gather @!p0 [hbm4b:s3+s30], $0x40, s26, s30, $0xb8;
	[tilespmem:$0x16400] =	vst v63  }
0x51: {  	_ =	swait.ge [sflag:s24], $0x4000  }
0x52: {  	[sflag:s24] =	ssyncset.done $0x0  }
0x53: {  	s26 =	sadd.s32 $0x20000, s10;
	[sflag:s24] =	ssyncadd.s32 $0xFFFFC000  }
0x54: {  	[hbm4b:s26+s2] =	stream.linear.scatter [tilespmem:s17], [sflag:$0x7], $0x4000, $0x38;
	[tilespmem:$0x16400] =	vst v63  }
0x55: {  	_ =	swait.ge [sflag:s25], $0x4000  }
0x56: {  	[sflag:s25] =	ssyncset.done $0x0  }
0x57: {  	s4 =	sadd.s32 @!p0 $0x900, s23;
	s23 =	simm.s32 @!p0 $0xA400;
	[sflag:s25] =	ssyncadd.s32 $0xFFFFC000  }
0x58: {  	[tilespmem:s23], [sflag:$0x2] =	stream.indirect.gather @!p0 [hbm4b:s3+s30], $0x40, s4, s30, $0xb8;
	[tilespmem:$0x16400] =	vst v63  }
0x59: {  	_ =	swait.ge [sflag:s28], $0x4000  }
0x5a: {  	[sflag:s28] =	ssyncset.done $0x0  }
.Ltmp2:
0x5b: {  	s30 =	sadd.s32 $0x20800, s10;
	[sflag:s28] =	ssyncadd.s32 $0xFFFFC000;
	(pc) =	sbr.rel @p0 .LBB2_4-.Ltmp2, $4  }
0x5c: {  	[hbm4b:s30+s2] =	stream.linear.scatter [tilespmem:s19], [sflag:$0x8], $0x4000, $0x38;
	[tilespmem:$0x16400] =	vst v63  }
0x5d: {  	_ =	swait.ge [sflag:s29], $0x4000  }
0x5e: {  	[sflag:s29] =	ssyncset.done $0x0  }
0x5f: {  	[sflag:s29] =	ssyncadd.s32 $0xFFFFC000  }
.Ltmp3:
0x60: {  	(pc) =	sbr.rel .LBB2_2-.Ltmp3, $3  }
0x61: {  	_ =	sdelay $0x1  }
0x62: {  	s4 =	sadd.s32 $0xA00, s18;
	s12 =	sadd.s32 $0x1000, s12;
	s10 =	sadd.s32 $0x40000, s10  }
0x63: {  	[tilespmem:s17], [sflag:$0x3] =	stream.indirect.gather [hbm4b:s3+s14], $0x40, s4, s14, $0xb8;
	[tilespmem:$0x16400] =	vst v63  }
.LBB2_5:
0x64: {  	_ =	sfence.sel $0x180000  }
0x65: {  	[bflag:$0x0] =	sbarrier.arrive $0xFFFF  }
0x66: {  	_ =	strace $0x90000047  }
0x67: {  	s0 =	stileid.u32;
	[bflag:$0x2] =	sbarrier.arrive $0xFFFF  }
0x68: {  	p0 =	sne.s32 s0, $0x0;
	s0 =	rddreg [dreg:$0x2]  }
0x69: {  	s0 =	sadd.s32 @!p0 $0x100000, s0  }
0x6a: {  	[sflag:s0] =	ssyncadd.tile.s32 @!p0 $0x1;
	_ =	shalt  }
.Lfunc_end2:
_tile_overlayer_lowered:
.L_overlay_start_2:
0x6b: {  	(tag) =	ssettag $0x2  }
0x6c: {  	s0 =	rddreg [dreg:$0x0];
	s2 =	stileid.u32  }
0x6d: {  	s1 =	rddreg [dreg:$0x1];
	p0 =	sne.s32 s2, $0x0  }
0x6e: {  	s3 =	rddreg [dreg:$0x2];
	[bflag:$0x3] =	sbarrier.arrive $0xFFFF;
	s2 =	simm.s32 @!p0 $0x1C09  }
0x6f: {  	[timem:s3], [sflag:s2] =	dma.local @!p0 [hbm:s0], s1  }
0x70: {  	s0 =	simm.s32 @!p0 $0x9  }
0x71: {  	_ =	swait.ge @!p0 [sflag:s0], s1  }
0x72: {  	s1 =	ssub.s32 @!p0 $0x0, s1;
	[sflag:s0] =	ssyncset.done @!p0 $0x0  }
0x73: {  	[sflag:s0] =	ssyncadd.s32 @!p0 s1  }
0x74: {  	[bflag:$0x3] =	sbarrier.arrive $0xFFFF  }
0x75: {  	_ =	shalt  }

// kernel: sparse-core-data-format-call.cloned.1.call-start
scs
called_computation_lowered:
.L_overlay_start_0:
0x0: {  	s2 =	sld [smem:$0x3FD9]  }
0x1: {  	s3 =	sld [smem:$0x3FFE];
	_ =	sdelay $0x1  }
0x2: {  	s1 =	srdreg.scid  }
0x3: {  	s0 =	sand.u32 $0x1, s1  }
0x4: {  	s18 =	sshll.u32 s0, $0xA;
	s2 =	sadd.s32 s3, s2  }
0x5: {  	s2 =	sadd.s32 s2, s18  }
0x6: {  	[smem:$0x3FC6] =	sst s2  }
0x7: {  	_ = 	snop  }
0x8: {  	s2 =	sld [smem:$0x3FD0];
	(tm) =	ssettm $0x1  }
0x9: {  	s19 =	sld [smem:$0x3FFB];
	_ =	sdelay $0x3  }
0xa: {  	_ =	strace s19  }
0xb: {  	s3 =	sld [smem:$0x3FFC];
	_ =	sdelay $0x3  }
0xc: {  	_ =	strace s3  }
0xd: {  	s3 =	sld [smem:$0x3FFD];
	_ =	sdelay $0x3  }
0xe: {  	_ =	strace s3  }
0xf: {  	_ =	strace $0x8FFFFFFF  }
0x10: {  	s20 =	sld [smem:$0x3FDB];
	_ =	sdelay $0x1  }
0x11: {  	s4 =	simm.s32 $_scs_section_size  }
0x12: {  	s5 =	simm.s32 $_size__tile_overlayer_lowered;
	s6 =	simm.s32 $_tile_overlayer_lowered  }
0x13: {  	s23 =	simm.s32 $0x1BFF;
	s22 =	sshll.u32 s6, $0x1;
	s3 =	sadd.s32 s4, s20  }
0x14: {  	s7 =	simm.s32 $0x0;
	s21 =	sshll.u32 s5, $0x1;
	s5 =	sadd.s32 s22, s3  }
0x15: {  	[timem:s7], [sflag:s23] =	dma.local [hbm:s5], s21  }
0x16: {  	_ =	swait.ge [sflag:s23], s21  }
0x17: {  	s4 =	ssub.s32 $0x0, s21;
	[sflag:s23] =	ssyncset.done $0x0  }
0x18: {  	[sflag:s23] =	ssyncadd.s32 s4;
	_ =	sdelay $0x1  }
0x19: {  	s24 =	simm.s32 $0x1B8B  }
0x1a: {  	_ =	swait.ge [sflag:s24], $0x1  }
0x1b: {  	[sflag:s24] =	ssyncset.done $0x0  }
0x1c: {  	s26 =	simm.s32 $0x1B8E;
	s25 =	sld [smem:$0x3FFE];
	[sflag:s24] =	ssyncadd.s32 $0xFFFFFFFF  }
0x1d: {  	s27 =	simm.s32 $execute0_lowered;
	[smem:$0x3FD2] =	sst s26  }
0x1e: {  	s5 =	sshll.u32 s27, $0x1;
	_ =	strace $0x80000049;
	[dreg:$0x1] =	wrdreg $0xFFFFFFFF  }
0x1f: {  	s28 =	simm.s32 $_size_execute0_lowered;
	s3 =	sadd.s32 s3, s5;
	[dreg:$0x0] =	wrdreg $0x0  }
0x20: {  	s5 =	sshll.u32 s28, $0x1;
	[dreg:$0x2] =	wrdreg s3  }
0x21: {  	[dreg:$0x3] =	wrdreg s5  }
0x22: {  	[dreg:$0x4] =	wrdreg $0xC0  }
0x23: {  	_ =	task [dreg:s7], $0x5FFFF  }
0x24: {  	[dreg:$0x1] =	wrdreg $0xFFFFFFFF  }
0x25: {  	[dreg:$0x0] =	wrdreg $0x60  }
0x26: {  	[dreg:$0x2] =	wrdreg s25  }
0x27: {  	[dreg:$0x3] =	wrdreg s2  }
0x28: {  	[dreg:$0x4] =	wrdreg $0x9  }
0x29: {  	_ =	task.clear_ibuf [dreg:s7], $0x5FFFF;
	_ =	strace $0x90000049  }
0x2a: {  	s29 =	simm.s32 $0x9;
	_ =	strace $0x8000004B  }
0x2b: {  	_ =	swait.ge [sflag:s29], $0x1  }
0x2c: {  	[sflag:s29] =	ssyncadd.s32 $0xFFFFFFFF  }
0x2d: {  	_ =	strace $0x9000004B  }
0x2e: {  	_ =	sfence  }
0x2f: {  	s30 =	sld [smem:$0x0];
	_ =	sdelay $0x2  }
0x30: {  	s31 =	sshll.u32 s1, $0xD;
	s1 =	sshrl.u32 s1, $0x2  }
0x31: {  	s3 =	sand.u32 $0x4000, s31;
	s1 =	sadd.s32 s1, s30  }
0x32: {  	s0 =	sor.u32 s3, s0;
	s1 =	sshll.u32 s1, $0x11  }
0x33: {  	s0 =	sor.u32 s1, s0  }
0x34: {  	s0 =	sadd.s32 $0x8F2B, s0  }
0x35: {  	[sflag:s0] =	ssyncadd.remote.s32 $0x1  }
0x36: {  	_ =	sfence.sel $0xFFFF  }
0x37: {  	[dreg:$0x0] =	wrdreg $0xFFFFFFFF;
	(pc) =	sbr.abs _section_cstart, $3  }
0x38: {  	[dreg:$0x1] =	wrdreg $0xFFFFFFFF  }
0x39: {  	_ =	task.clear_ibuf [dreg:s7], $0x2FFFF;
	_ =	strace $0x9FFFFFFF  }
0x3a: {  	(tm) =	ssettm $0x7FFFFFFF  }
0x3b: {  	_ =	shalt  }
tec
execute0_lowered:
.L_overlay_start_1:
0x0: {  	(tag) =	ssettag $0x1  }
0x1: {  	s0 =	srdreg.scid  }
0x2: {  	s1 =	sshll.u32 s0, $0x4  }
0x3: {  	s0 =	stileid.u32;
	s1 =	sand.u32 $0x10, s1  }
0x4: {  	s7 =	rddreg [dreg:$0x0];
	s1 =	sor.u32 s0, s1  }
0x5: {  	s4 =	simm.s32 $0x1;
	s8 =	simm.s32 $0x2;
	s2 =	sshll.u32 s1, $0x7  }
0x6: {  	s13 =	simm.s32 $0x0;
	s9 =	simm.s32 $0x20000;
	s1 =	ssub.s32 $0x4000, s2  }
0x7: {  	s14 =	simm.s32 $0x0;
	s11 =	simm.s32 $0x0;
	s3 =	sand.u32 $0xF80, s1  }
0x8: {  	s12 =	simm.s32 $0x0;
	s5 =	sshrl.u32 s1, $0xC;
	p0 =	sne.s32 s3, $0x0  }
.Ltmp0:
0x9: {  	s1 =	rddreg [dreg:$0x2];
	s4 =	simm.s32 @!p0 $0x0;
	(pc) =	sbr.rel .LBB1_1-.Ltmp0, $4  }
0xa: {  	s6 =	sadd.s32 $0xA00, s7;
	s3 =	rddreg [dreg:$0x1];
	s5 =	sadd.s32 s4, s5  }
0xb: {  	_ =	strace $0x8000004A;
	s4 =	simm.s32 $0x1;
	s5 =	smul.u32 $0x19, s5  }
0xc: {  	s7 =	sadd.s32 $0x40A00, s7;
	s10 =	smov.u32 s2;
	[sflag:s4] =	ssyncpa.u1 $0x0  }
0xd: {  	p0 =	por $0x0, $0x0;
	[sflag:s8] =	ssyncpa.u1 $0x0;
	s8 =	sadd.s32 $0x1, s5  }
.LBB1_7:
0xe: {  	s15 =	sadd.s32 $0x1000, s10  }
0xf: {  	s13 =	sadd.s32 $0x2, s11;
	s17 =	smov.u32 s11;
	p2 =	sgt.s32 s15, $0x3FFF  }
0x10: {  	s17 =	smov.u32 @p2 s13  }
0x11: {  	s15 =	smov.u32 @p2 s2;
	p2 =	sgt.s32 s17, $0x31  }
0x12: {  	s17 =	simm.s32 @p2 $0x0;
	p2 =	sne.s32 s12, s8  }
.Ltmp1:
0x13: {  	p1 =	slt.u32 s12, $0x2;
	(pc) =	sbr.rel @!p2 .LBB1_8-.Ltmp1, $4  }
0x14: {  	s16 =	simm.s32 @!p1 $0x2  }
0x15: {  	s14 =	smov.u32 s11;
	p0 =	por !p0, !p0;
	_ =	swait.ge @!p1 [sflag:s16], $0x4000  }
0x16: {  	s13 =	smov.u32 s10;
	[sflag:s16] =	ssyncset.done @!p1 $0x0;
	s10 =	smov.u32 s15  }
0x17: {  	s12 =	sadd.s32 $0x1, s12;
	[sflag:s16] =	ssyncadd.s32 @!p1 $0xFFFFC000;
	s11 =	smov.u32 s17  }
.LBB1_1:
0x18: {  	p1 =	sge.u32 s12, s5  }
0x19: {  	s15 =	sxor.u32 @!p1 $0xFFFFFFFF, s12;
	s16 =	sshll.u32 @!p1 s11, $0x12  }
0x1a: {  	s17 =	sshll.u32 @!p1 s10, $0x4;
	s19 =	simm.s32 @!p1 $0x40;
	s20 =	simm.s32 @!p1 $0x80  }
0x1b: {  	s15 =	sshll.u32 @!p1 s15, $0xE;
	s17 =	sand.u32 @!p1 $0x3FFF0, s17;
	s18 =	sadd.s32 @!p1 s6, s16  }
0x1c: {  	s16 =	sadd.s32 @!p1 s16, s7;
	s15 =	sand.u32 @!p1 $0x4000, s15;
	s18 =	sadd.s32 @!p1 s17, s18  }
0x1d: {  	[tilespmem:s15], [sflag:$0x1] =	stream.strided.gather @!p1 [hbm4b:s18+s19], $0x2000, s20, s19, $0x38;
	[tilespmem:$0x10100] =	vst v63  }
0x1e: {  	s31 =	sadd.s32 $0xFFFFFFFF, s12;
	s16 =	sadd.s32 @!p1 s17, s16;
	s15 =	sor.u32 @!p1 $0x2000, s15  }
0x1f: {  	[tilespmem:s15], [sflag:$0x1] =	stream.strided.gather @!p1 [hbm4b:s16+s19], $0x2000, s20, s19, $0x38;
	[tilespmem:$0x10100] =	vst v63  }
0x20: {  	p1 =	sge.u32 s31, s5  }
.Ltmp2:
0x21: {  	_ = 	snop;
	(pc) =	sbr.rel @p1 .LBB1_7-.Ltmp2, $1  }
0x22: {  	_ =	sdelay $0x3  }
0x23: {  	s15 =	simm.s32 $0x1;
	s17 =	sand.u32 $0x1, s12  }
0x24: {  	_ =	swait.ge [sflag:s4], $0x4000;
	s15 =	simm.s32 @!p0 $0x0;
	s17 =	smul.u32 $0x10200, s17  }
0x25: {  	p2 =	por $0x1, $0x1;
	[sflag:s4] =	ssyncset.done $0x0;
	s16 =	smul.u32 $0x10200, s15  }
0x26: {  	s18 =	sshll.u32 s15, $0x10;
	[sflag:s4] =	ssyncadd.s32 $0xFFFFC000;
	s30 =	sshrl.u32 s17, $0x2  }
0x27: {  	s31 =	sshrl.u32 s18, $0x2;
	s18 =	simm.s32 $0x0;
	s16 =	sshrl.u32 s16, $0x2  }
0x28: {  	s15 =	sor.u32 $0x8000, s30;
	s17 =	sadd.s32 $0x20, s31;
	s16 =	sor.u32 $0x8000, s16  }
.LBB1_3:
0x29: {  	s19 =	sshll.u32 s18, $0xD  }
0x2a: {  	s19 =	sand.u32 $0x3FFFE000, s19  }
0x2b: {  	s21 =	sadd.s32 s19, s17  }
0x2c: {  	s31 =	smul.u32 $0x8100, s18;
	v3 =	vld [tilespmem:s21+$0x10]  }
0x2d: {  	v1 =	vld [tilespmem:s21+$0xFFFFFFF0]  }
0x2e: {  	s18 =	sshra.s32 s31, $0x2;
	v0 =	vld [tilespmem:s21+$0x0]  }
0x2f: {  	s18 =	sadd.s32 s18, s16;
	v2 =	vld [tilespmem:s21+$0xFFFFFFE0]  }
0x30: {  	s19 =	sadd.s32 $0x0, s18  }
0x31: {  	p1 =	por p2, p2;
	s20 =	simm.s32 $0x4;
	s21 =	sadd.s32 $0x40, s21;
	[tilespmem:s19+$0x1830 ss:$0x81] =	vst.msk $0xffff, v3  }
.LBB1_4:
0x32: {  	v3 =	vld [tilespmem:s21+$0x10];
	p2 =	sne.s32 s20, $0x1FC;
	[tilespmem:s19+$0x810 ss:$0x81] =	vst.msk $0xffff, v1;
	s22 =	smov.u32 s20;
	s20 =	sadd.s32 $0x4, s20  }
.Ltmp3:
0x33: {  	v1 =	vld [tilespmem:s21+$0xFFFFFFF0];
	[tilespmem:s19+$0x1020 ss:$0x81] =	vst.msk $0xffff, v0;
	(pc) =	sbr.rel @p2 .LBB1_4-.Ltmp3, $4  }
0x34: {  	v0 =	vld [tilespmem:s21+$0x0];
	[tilespmem:s19+$0x0 ss:$0x81] =	vst.msk $0xffff, v2  }
0x35: {  	s19 =	sshra.s32 s22, $0x2;
	v2 =	vld [tilespmem:s21+$0xFFFFFFE0]  }
0x36: {  	s19 =	sadd.s32 s19, s18  }
0x37: {  	s21 =	sadd.s32 $0x40, s21;
	[tilespmem:s19+$0x1830 ss:$0x81] =	vst.msk $0xffff, v3  }
.Ltmp4:
0x38: {  	(pc) =	sbr.rel @p1 .LBB1_3-.Ltmp4, $4  }
0x39: {  	_ = 	snop  }
0x3a: {  	[tilespmem:s19+$0x810 ss:$0x81] =	vst.msk $0xffff, v1  }
0x3b: {  	[tilespmem:s19+$0x1020 ss:$0x81] =	vst.msk $0xffff, v0  }
0x3c: {  	s18 =	simm.s32 $0x1;
	p2 =	por $0x0, $0x0;
	[tilespmem:s19+$0x0 ss:$0x81] =	vst.msk $0xffff, v2  }
0x3d: {  	s16 =	sshll.u32 s13, $0x3;
	s17 =	sand.u32 $0x78, s13;
	s14 =	sshll.u32 s14, $0x11  }
.Ltmp5:
0x3e: {  	s30 =	sand.u32 $0x1F800, s13;
	s16 =	sand.u32 $0x3C00, s16;
	(pc) =	sbr.rel .LBB1_7-.Ltmp5, $4  }
0x3f: {  	s31 =	sand.u32 $0x7, s13;
	s14 =	sadd.s32 s3, s14;
	s16 =	sor.u32 s17, s16  }
0x40: {  	s13 =	sshll.u32 s31, $0x12;
	s14 =	sadd.s32 s30, s14;
	s16 =	sshrl.u32 s16, $0x3  }
0x41: {  	s13 =	sor.u32 $0x400, s13;
	s14 =	sadd.s32 s16, s14  }
0x42: {  	[hbm4b:s14+s13] =	stream.strided.scatter [tilespmem:s15], [sflag:$0x2], $0x4000, s9, s13, $0x20;
	[tilespmem:$0x10100] =	vst v63  }
.LBB1_8:
0x43: {  	_ =	sfence.sel $0x180000  }
0x44: {  	s2 =	simm.s32 $0x1;
	[bflag:$0x0] =	sbarrier.arrive $0xFFFF  }
0x45: {  	s31 =	simm.s32 $0x2;
	[sflag:s2] =	ssyncpa.u1 $0x1  }
0x46: {  	[sflag:s31] =	ssyncpa.u1 $0x1  }
0x47: {  	p0 =	sne.s32 s0, $0x0;
	_ =	strace $0x9000004A  }
0x48: {  	s0 =	sadd.s32 @!p0 $0x100000, s1;
	[bflag:$0x2] =	sbarrier.arrive $0xFFFF  }
0x49: {  	[sflag:s0] =	ssyncadd.tile.s32 @!p0 $0x1;
	_ =	shalt  }
.Lfunc_end1:
_tile_overlayer_lowered:
.L_overlay_start_2:
0x4a: {  	(tag) =	ssettag $0x2  }
0x4b: {  	s0 =	rddreg [dreg:$0x0];
	s2 =	stileid.u32  }
0x4c: {  	s1 =	rddreg [dreg:$0x1];
	p0 =	sne.s32 s2, $0x0  }
0x4d: {  	s3 =	rddreg [dreg:$0x2];
	[bflag:$0x3] =	sbarrier.arrive $0xFFFF;
	s2 =	simm.s32 @!p0 $0x1C01  }
0x4e: {  	[timem:s3], [sflag:s2] =	dma.local @!p0 [hbm:s0], s1  }
0x4f: {  	s0 =	simm.s32 @!p0 $0x1  }
0x50: {  	_ =	swait.ge @!p0 [sflag:s0], s1  }
0x51: {  	s1 =	ssub.s32 @!p0 $0x0, s1;
	[sflag:s0] =	ssyncset.done @!p0 $0x0  }
0x52: {  	[sflag:s0] =	ssyncadd.s32 @!p0 s1  }
0x53: {  	[bflag:$0x3] =	sbarrier.arrive $0xFFFF  }
0x54: {  	_ =	shalt  }

</sc_bundles>
